<compile_context>
chip_gen: v7x
topology: tpu7x:2x2x1
jax: 0.10.2.dev20260603
libtpu: 0.0.44.dev20260713+nightly
codegen_flags: <defaults>
</compile_context>

<pallas_src>
import functools

import numpy as np
import jax
import jax.numpy as jnp
from jax import lax
from jax.experimental import pallas as pl
from jax.experimental.pallas import tpu as pltpu
from jax.experimental.pallas import tpu_sc as plsc

N = 50000
D_IN = 128
D_OUT = 128
D2 = 32
M = 16
K = 15
POINT_INFLUENCE = 0.04 * 1.0
ROW = 48
TBL = 128
T = 1000
GRID = N // T

NW = 32
PER_W = (N * M) // NW
CHUNK = 128
SUPER = 6
SUPER_ROWS = CHUNK * SUPER
N_SUPER = PER_W // SUPER_ROWS
TAIL = PER_W - N_SUPER * SUPER_ROWS
TAIL_CHUNKS = [128, 128, 128, 40]


def _kp_points():
    rs = np.random.RandomState(42)
    p = rs.normal(size=(K, 3))
    p = p / (np.linalg.norm(p, axis=1, keepdims=True) + 1e-9)
    r = rs.uniform(0.0, 1.0, size=(K, 1)) ** (1.0 / 3.0)
    p = p * r
    p[0, :] = 0.0
    return (p * POINT_INFLUENCE).astype(np.float32)

_KP = _kp_points()
_KPT = np.ascontiguousarray(_KP.T)
_KPN = (np.sum(_KP * _KP, axis=1)[None, :]).astype(np.float32)

_E = np.zeros((K, K * D2), np.float32)
for _k in range(K):
    _E[_k, _k * D2:(_k + 1) * D2] = 1.0
_E2 = np.zeros((D2, K * D2), np.float32)
for _k in range(K):
    for _c in range(D2):
        _E2[_c, _k * D2 + _c] = 1.0


def _act(h):
    return jnp.where(h >= 0, h, 0.2 * h)


def _finalize(ps, pss, g, b):
    m = ps / N
    v = pss / N - m * m
    sc = g / jnp.sqrt(v + 1e-5)
    return sc, b - m * sc



def _mm_stats_body(x_ref, w_ref, h_ref, ps_ref, pss_ref):
    i = pl.program_id(0)
    h = jnp.dot(x_ref[...], w_ref[...], preferred_element_type=jnp.float32)
    h_ref[...] = h

    @pl.when(i == 0)
    def _():
        ps_ref[...] = jnp.zeros_like(ps_ref)
        pss_ref[...] = jnp.zeros_like(pss_ref)

    ps_ref[...] += jnp.sum(h, axis=0, keepdims=True)
    pss_ref[...] += jnp.sum(h * h, axis=0, keepdims=True)


def _stage_a(x, W1):
    return pl.pallas_call(
        _mm_stats_body,
        grid=(GRID,),
        in_specs=[
            pl.BlockSpec((T, D_IN), lambda i: (i, 0)),
            pl.BlockSpec((D_IN, D2), lambda i: (0, 0)),
        ],
        out_specs=[
            pl.BlockSpec((T, D2), lambda i: (i, 0)),
            pl.BlockSpec((1, D2), lambda i: (0, 0)),
            pl.BlockSpec((1, D2), lambda i: (0, 0)),
        ],
        out_shape=[
            jax.ShapeDtypeStruct((N, D2), jnp.float32),
            jax.ShapeDtypeStruct((1, D2), jnp.float32),
            jax.ShapeDtypeStruct((1, D2), jnp.float32),
        ],
        compiler_params=pltpu.CompilerParams(
            dimension_semantics=("arbitrary",)),
    )(x, W1)



def _pack_body(h_ref, pos_ref, sc_ref, sh_ref, p_ref):
    h = _act(h_ref[...] * sc_ref[...] + sh_ref[...])
    pad = jnp.zeros((h.shape[0], TBL - D2 - 3), jnp.float32)
    p_ref[...] = jnp.concatenate([h, pos_ref[...], pad], axis=1)


def _stage_b(h_pre, pos, sc1, sh1):
    return pl.pallas_call(
        _pack_body,
        grid=(GRID,),
        in_specs=[
            pl.BlockSpec((T, D2), lambda i: (i, 0)),
            pl.BlockSpec((T, 3), lambda i: (i, 0)),
            pl.BlockSpec((1, D2), lambda i: (0, 0)),
            pl.BlockSpec((1, D2), lambda i: (0, 0)),
        ],
        out_specs=pl.BlockSpec((T, TBL), lambda i: (i, 0)),
        out_shape=jax.ShapeDtypeStruct((N, TBL), jnp.float32),
    )(h_pre, pos, sc1, sh1)



def _sc_gather(P, idx_flat):
    R = idx_flat.shape[0]

    @functools.partial(
        pl.kernel,
        out_type=jax.ShapeDtypeStruct((R, TBL), jnp.float32),
        mesh=plsc.VectorSubcoreMesh(core_axis_name="c", subcore_axis_name="s"),
        scratch_types=[
            pltpu.VMEM((SUPER_ROWS,), jnp.int32),
            pltpu.VMEM((SUPER_ROWS, TBL), jnp.float32),
            pltpu.SemaphoreType.DMA,
        ],
    )
    def gather_kernel(p_hbm, idx_hbm, out_hbm, idx_v, rows_v, sem):
        wid = lax.axis_index("s") * 2 + lax.axis_index("c")
        base = wid * PER_W

        def superstep(g, carry):
            off = base + g * SUPER_ROWS
            pltpu.sync_copy(idx_hbm.at[pl.ds(off, SUPER_ROWS)], idx_v)
            copies = []
            for b in range(SUPER):
                copies.append(pltpu.async_copy(
                    p_hbm.at[idx_v.at[pl.ds(b * CHUNK, CHUNK)]],
                    rows_v.at[pl.ds(b * CHUNK, CHUNK)],
                    sem))
            for c in copies:
                c.wait()
            pltpu.sync_copy(rows_v, out_hbm.at[pl.ds(off, SUPER_ROWS)])
            return carry

        lax.fori_loop(0, N_SUPER, superstep, 0)

        off = base + N_SUPER * SUPER_ROWS
        pltpu.sync_copy(idx_hbm.at[pl.ds(off, TAIL)], idx_v.at[pl.ds(0, TAIL)])
        copies = []
        sub = 0
        for c_len in TAIL_CHUNKS:
            copies.append(pltpu.async_copy(
                p_hbm.at[idx_v.at[pl.ds(sub, c_len)]],
                rows_v.at[pl.ds(sub, c_len)],
                sem))
            sub += c_len
        for c in copies:
            c.wait()
        pltpu.sync_copy(rows_v.at[pl.ds(0, TAIL)], out_hbm.at[pl.ds(off, TAIL)])

    return gather_kernel(P, idx_flat)



def _kpconv_body(g_ref, pos_ref, kpt_ref, kpn_ref, e_ref, e2_ref, wkp_ref,
                 o_ref, ps_ref, pss_ref):
    i = pl.program_id(0)
    pos_t = pos_ref[...]
    y = jnp.zeros((T, K * D2), jnp.float32)
    for m in range(M):
        gm = g_ref[m]
        hm = gm[:, 0:D2]
        dm = gm[:, D2:D2 + 3] - pos_t
        cross = jnp.dot(dm, kpt_ref[...],
                        preferred_element_type=jnp.float32)
        rn = jnp.sum(dm * dm, axis=1, keepdims=True)
        sq = jnp.maximum(rn - 2.0 * cross + kpn_ref[...], 0.0)
        w = jnp.maximum(0.0, 1.0 - jnp.sqrt(sq) * (1.0 / POINT_INFLUENCE))
        wr = jnp.dot(w, e_ref[...], preferred_element_type=jnp.float32)
        hr = jnp.concatenate([hm] * K, axis=1)
        y = y + wr * hr
    out = jnp.dot(y, wkp_ref[...], preferred_element_type=jnp.float32)
    o_ref[...] = out

    @pl.when(i == 0)
    def _():
        ps_ref[...] = jnp.zeros_like(ps_ref)
        pss_ref[...] = jnp.zeros_like(pss_ref)

    ps_ref[...] += jnp.sum(out, axis=0, keepdims=True)
    pss_ref[...] += jnp.sum(out * out, axis=0, keepdims=True)


def _stage_c(G3, pos, Wkp_flat):
    kpt = jnp.asarray(_KPT)
    kpn = jnp.asarray(_KPN)
    e = jnp.asarray(_E)
    e2 = jnp.asarray(_E2)
    return pl.pallas_call(
        _kpconv_body,
        grid=(GRID,),
        in_specs=[
            pl.BlockSpec((M, T, TBL), lambda i: (0, i, 0)),
            pl.BlockSpec((T, 3), lambda i: (i, 0)),
            pl.BlockSpec((3, K), lambda i: (0, 0)),
            pl.BlockSpec((1, K), lambda i: (0, 0)),
            pl.BlockSpec((K, K * D2), lambda i: (0, 0)),
            pl.BlockSpec((D2, K * D2), lambda i: (0, 0)),
            pl.BlockSpec((K * D2, D2), lambda i: (0, 0)),
        ],
        out_specs=[
            pl.BlockSpec((T, D2), lambda i: (i, 0)),
            pl.BlockSpec((1, D2), lambda i: (0, 0)),
            pl.BlockSpec((1, D2), lambda i: (0, 0)),
        ],
        out_shape=[
            jax.ShapeDtypeStruct((N, D2), jnp.float32),
            jax.ShapeDtypeStruct((1, D2), jnp.float32),
            jax.ShapeDtypeStruct((1, D2), jnp.float32),
        ],
        compiler_params=pltpu.CompilerParams(
            dimension_semantics=("arbitrary",)),
    )(G3, pos, kpt, kpn, e, e2, Wkp_flat)



def _up_body(o_ref, sc_ref, sh_ref, w_ref, u_ref, ps_ref, pss_ref):
    i = pl.program_id(0)
    t = _act(o_ref[...] * sc_ref[...] + sh_ref[...])
    u = jnp.dot(t, w_ref[...], preferred_element_type=jnp.float32)
    u_ref[...] = u

    @pl.when(i == 0)
    def _():
        ps_ref[...] = jnp.zeros_like(ps_ref)
        pss_ref[...] = jnp.zeros_like(pss_ref)

    ps_ref[...] += jnp.sum(u, axis=0, keepdims=True)
    pss_ref[...] += jnp.sum(u * u, axis=0, keepdims=True)


def _stage_d(out_pre, sc2, sh2, W2):
    return pl.pallas_call(
        _up_body,
        grid=(GRID,),
        in_specs=[
            pl.BlockSpec((T, D2), lambda i: (i, 0)),
            pl.BlockSpec((1, D2), lambda i: (0, 0)),
            pl.BlockSpec((1, D2), lambda i: (0, 0)),
            pl.BlockSpec((D2, D_OUT), lambda i: (0, 0)),
        ],
        out_specs=[
            pl.BlockSpec((T, D_OUT), lambda i: (i, 0)),
            pl.BlockSpec((1, D_OUT), lambda i: (0, 0)),
            pl.BlockSpec((1, D_OUT), lambda i: (0, 0)),
        ],
        out_shape=[
            jax.ShapeDtypeStruct((N, D_OUT), jnp.float32),
            jax.ShapeDtypeStruct((1, D_OUT), jnp.float32),
            jax.ShapeDtypeStruct((1, D_OUT), jnp.float32),
        ],
        compiler_params=pltpu.CompilerParams(
            dimension_semantics=("arbitrary",)),
    )(out_pre, sc2, sh2, W2)



def _res_body(u_ref, sc_ref, sh_ref, x_ref, o_ref):
    o_ref[...] = _act(u_ref[...] * sc_ref[...] + sh_ref[...]) + x_ref[...]


def _stage_e(u, sc3, sh3, x):
    return pl.pallas_call(
        _res_body,
        grid=(GRID,),
        in_specs=[
            pl.BlockSpec((T, D_OUT), lambda i: (i, 0)),
            pl.BlockSpec((1, D_OUT), lambda i: (0, 0)),
            pl.BlockSpec((1, D_OUT), lambda i: (0, 0)),
            pl.BlockSpec((T, D_OUT), lambda i: (i, 0)),
        ],
        out_specs=pl.BlockSpec((T, D_OUT), lambda i: (i, 0)),
        out_shape=jax.ShapeDtypeStruct((N, D_OUT), jnp.float32),
    )(u, sc3, sh3, x)


def kernel(x, pos, batch, idx_neighboors, W1, g1, b1, Wkp, gk, bk, W2, g2, b2):
    h_pre, ps1, pss1 = _stage_a(x, W1)
    sc1, sh1 = _finalize(ps1[0], pss1[0], g1, b1)
    P = _stage_b(h_pre, pos, sc1[None, :], sh1[None, :])
    shadow = jnp.concatenate(
        [jnp.zeros((1, D2), jnp.float32),
         jnp.full((1, 3), 1e6, jnp.float32),
         jnp.zeros((1, TBL - D2 - 3), jnp.float32)], axis=1)
    P_pad = jnp.concatenate([P, shadow], axis=0)
    idx_flat = jnp.transpose(idx_neighboors).reshape(-1)
    G = _sc_gather(P_pad, idx_flat)
    G3 = G.reshape(M, N, TBL)
    out_pre, ps2, pss2 = _stage_c(G3, pos, Wkp.reshape(K * D2, D2))
    sc2, sh2 = _finalize(ps2[0], pss2[0], gk, bk)
    u, ps3, pss3 = _stage_d(out_pre, sc2[None, :], sh2[None, :], W2)
    sc3, sh3 = _finalize(ps3[0], pss3[0], g2, b2)
    return _stage_e(u, sc3[None, :], sh3[None, :], x)

# --- scband reference (transcript-rebuilt; emitter-appended) ---
"""Pipeline reference for scband-resnet-bblock-19713899888771 (READ-ONLY COPY).

The authoritative reference and input builder live on the scoring server;
editing this copy changes nothing except your own understanding.
"""

import jax, jax.numpy as jnp
import numpy as np

N = 50000
D_IN = 128
D_OUT = 128
D2 = D_OUT // 4
M = 16
K = 15
GRID_SIZE = 0.04
SIGMA = 1.0
POINT_INFLUENCE = GRID_SIZE * SIGMA


def _kernel_points():
    # deterministic kernel point disposition inside a ball of radius POINT_INFLUENCE
    rs = np.random.RandomState(42)
    p = rs.normal(size=(K, 3))
    p = p / (np.linalg.norm(p, axis=1, keepdims=True) + 1e-9)
    r = rs.uniform(0.0, 1.0, size=(K, 1)) ** (1.0 / 3.0)
    p = p * r
    p[0, :] = 0.0  # center kernel point
    return (p * POINT_INFLUENCE).astype(np.float32)

KP = jnp.asarray(_kernel_points())


def setup_inputs(seed: int = 0) -> dict:
    key = jax.random.key(seed)
    ks = jax.random.split(key, 12)
    x = jax.random.normal(ks[0], (N, D_IN), dtype=jnp.float32)
    pos = jax.random.uniform(ks[1], (N, 3), dtype=jnp.float32)
    batch = jnp.zeros((N,), dtype=jnp.int32)
    idx_neighboors = jax.random.randint(ks[2], (N, M), 0, N, dtype=jnp.int32)
    # learned parameters
    W1 = jax.random.normal(ks[3], (D_IN, D2), dtype=jnp.float32) / np.sqrt(D_IN)
    g1 = jnp.ones((D2,), dtype=jnp.float32)
    b1 = jnp.zeros((D2,), dtype=jnp.float32)
    Wkp = jax.random.normal(ks[4], (K, D2, D2), dtype=jnp.float32) / np.sqrt(K * D2)
    gk = jnp.ones((D2,), dtype=jnp.float32)
    bk = jnp.zeros((D2,), dtype=jnp.float32)
    W2 = jax.random.normal(ks[5], (D2, D_OUT), dtype=jnp.float32) / np.sqrt(D2)
    g2 = jnp.ones((D_OUT,), dtype=jnp.float32)
    b2 = jnp.zeros((D_OUT,), dtype=jnp.float32)
    return {"x": x, "pos": pos, "batch": batch, "idx_neighboors": idx_neighboors,
            "W1": W1, "g1": g1, "b1": b1, "Wkp": Wkp, "gk": gk, "bk": bk,
            "W2": W2, "g2": g2, "b2": b2}


def reference(x, pos, batch, idx_neighboors, W1, g1, b1, Wkp, gk, bk, W2, g2, b2):
    def _bn(h, g, b):
        m = jnp.mean(h, axis=0)
        v = jnp.var(h, axis=0)
        return (h - m) / jnp.sqrt(v + 1e-5) * g + b

    def _act(h):
        return jax.nn.leaky_relu(h, negative_slope=0.2)

    shortcut_x = x
    # unary_1 (bottleneck down-projection) + BN + activation
    h = _act(_bn(x @ W1, g1, b1))
    # KPConv with shadow point padding (index N = shadow neighbor)
    pos_pad = jnp.concatenate([pos, jnp.full((1, 3), 1e6, dtype=pos.dtype)], axis=0)
    h_pad = jnp.concatenate([h, jnp.zeros((1, D2), dtype=h.dtype)], axis=0)
    neighb_x = h_pad[idx_neighboors]                       # [N, M, D2] gather
    neighb_pts = pos_pad[idx_neighboors] - pos[:, None, :]  # [N, M, 3]
    diff = neighb_pts[:, :, None, :] - KP[None, None, :, :]  # [N, M, K, 3]
    sq_dist = jnp.sum(diff * diff, axis=-1)                  # [N, M, K]
    all_weights = jnp.maximum(0.0, 1.0 - jnp.sqrt(sq_dist) / POINT_INFLUENCE)  # linear influence
    weighted = jnp.einsum('nmk,nmc->nkc', all_weights, neighb_x)  # [N, K, D2]
    out = jnp.einsum('nkc,kcd->nd', weighted, Wkp)                # [N, D2]
    out = _act(_bn(out, gk, bk))
    # unary_2 (bottleneck up-projection) + BN + activation
    out = _act(_bn(out @ W2, g2, b2))
    # shortcut: num_inputs == num_outputs -> Identity
    return out + shortcut_x

if __name__ == "__main__":
    import jax
    _d = setup_inputs()
    print(jax.jit(kernel)(*tuple(_d.values())))

</pallas_src>

<mosaic_0001>
#map = affine_map<(d0, d1) -> (0, 0)>
#map1 = affine_map<(d0, d1) -> (0)>
module attributes {stable_mosaic.version = 14 : i64} {
  func.func @gather_kernel(%arg0: i32, %arg1: i32, %arg2: memref<50001x128xf32, #tpu.memory_space<hbm>>, %arg3: memref<800000xi32, #tpu.memory_space<hbm>>, %arg4: memref<800000x128xf32, #tpu.memory_space<hbm>>, %arg5: memref<768xi32, #tpu.memory_space<vmem>>, %arg6: memref<768x128xf32, #tpu.memory_space<vmem>>, %arg7: memref<!tpu.dma_semaphore, #tpu.memory_space<semaphore_mem>>) attributes {dimension_semantics = [#tpu.dimension_semantics<core_parallel>, #tpu.dimension_semantics<subcore_parallel>], iteration_bounds = array<i64: 2, 16>, scalar_prefetch = 0 : i64, scratch_operands = 3 : i64, tpu.core_type = #tpu.core_type<sc_vector_subcore>, window_params = [{transform_indices = #map}, {transform_indices = #map1}, {transform_indices = #map}]} {
    %mul3A = arith.constant 2 : i32
    %mul3A_0 = arith.muli %arg1, %mul3A : i32
    %add3A = arith.addi %mul3A_0, %arg0 : i32
    %mul3A_1 = arith.constant 25000 : i32
    %mul3A_2 = arith.muli %add3A, %mul3A_1 : i32
    %scan3A = arith.constant 0 : i32
    %scan3A_3 = arith.constant 0 : i32
    %scan3A_4 = arith.constant 32 : i32
    %scan3A_5 = arith.addi %scan3A_3, %scan3A_4 : i32
    %scan3A_6 = arith.constant 1 : i32
    scf.for %scan3A_72 = %scan3A_3 to %scan3A_5 step %scan3A_6  : i32 {
      %mul3A_73 = arith.constant 768 : i32
      %mul3A_74 = arith.muli %scan3A_72, %mul3A_73 : i32
      %add3A_75 = arith.addi %mul3A_2, %mul3A_74 : i32
      "tpu.region"() ({
        %run_scoped3A = tpu.sem_alloc : memref<!tpu.dma_semaphore, #tpu.memory_space<semaphore_mem>>
        %dma_start3A_172 = tpu.memref_slice %arg3[%add3A_75] : memref<800000xi32, #tpu.memory_space<hbm>> -> memref<768xi32, #tpu.memory_space<hbm>>
        %dma_start3A_173 = tpu.memref_slice %arg3[%add3A_75] : memref<800000xi32, #tpu.memory_space<hbm>> -> memref<768xi32, #tpu.memory_space<hbm>>
        tpu.enqueue_dma source(%dma_start3A_173 : memref<768xi32, #tpu.memory_space<hbm>>) target(%arg5 : memref<768xi32, #tpu.memory_space<vmem>>) target_semaphore(%run_scoped3A : memref<!tpu.dma_semaphore, #tpu.memory_space<semaphore_mem>>)
        %dma_wait3A_174 = tpu.memref_slice %arg3[%add3A_75] : memref<800000xi32, #tpu.memory_space<hbm>> -> memref<768xi32, #tpu.memory_space<hbm>>
        %dma_wait3A_175 = tpu.memref_slice %arg3[%add3A_75] : memref<800000xi32, #tpu.memory_space<hbm>> -> memref<768xi32, #tpu.memory_space<hbm>>
        tpu.wait_dma2 semaphore(%run_scoped3A : memref<!tpu.dma_semaphore, #tpu.memory_space<semaphore_mem>>) src(%dma_wait3A_175 : memref<768xi32, #tpu.memory_space<hbm>>) dst(%arg5 : memref<768xi32, #tpu.memory_space<vmem>>)
        tpu.yield
      }) : () -> ()
      %dma_start3A_76 = arith.constant 0 : i32
      %dma_start3A_77 = arith.constant 0 : i32
      %dma_start3A_78 = tpu.memref_slice %arg6[%dma_start3A_76, %dma_start3A_77] : memref<768x128xf32, #tpu.memory_space<vmem>> -> memref<128x128xf32, #tpu.memory_space<vmem>>
      %dma_start3A_79 = arith.constant 0 : i32
      %dma_start3A_80 = tpu.memref_slice %arg5[%dma_start3A_79] : memref<768xi32, #tpu.memory_space<vmem>> -> memref<128xi32, #tpu.memory_space<vmem>>
      %dma_start3A_81 = arith.constant 0 : i32
      %dma_start3A_82 = arith.constant 0 : i32
      %dma_start3A_83 = tpu.memref_slice %arg2[%dma_start3A_81, %dma_start3A_82] : memref<50001x128xf32, #tpu.memory_space<hbm>> -> memref<50001x128xf32, #tpu.memory_space<hbm>>
      tpu.enqueue_indirect_dma source(%dma_start3A_83 : memref<50001x128xf32, #tpu.memory_space<hbm>>) target(%dma_start3A_78 : memref<128x128xf32, #tpu.memory_space<vmem>>) offsets(%dma_start3A_80 : memref<128xi32, #tpu.memory_space<vmem>>) semaphore(%arg7 : memref<!tpu.dma_semaphore, #tpu.memory_space<semaphore_mem>>)
      %dma_start3A_84 = arith.constant 128 : i32
      %dma_start3A_85 = arith.constant 0 : i32
      %dma_start3A_86 = tpu.memref_slice %arg6[%dma_start3A_84, %dma_start3A_85] : memref<768x128xf32, #tpu.memory_space<vmem>> -> memref<128x128xf32, #tpu.memory_space<vmem>>
      %dma_start3A_87 = arith.constant 128 : i32
      %dma_start3A_88 = tpu.memref_slice %arg5[%dma_start3A_87] : memref<768xi32, #tpu.memory_space<vmem>> -> memref<128xi32, #tpu.memory_space<vmem>>
      %dma_start3A_89 = arith.constant 0 : i32
      %dma_start3A_90 = arith.constant 0 : i32
      %dma_start3A_91 = tpu.memref_slice %arg2[%dma_start3A_89, %dma_start3A_90] : memref<50001x128xf32, #tpu.memory_space<hbm>> -> memref<50001x128xf32, #tpu.memory_space<hbm>>
      tpu.enqueue_indirect_dma source(%dma_start3A_91 : memref<50001x128xf32, #tpu.memory_space<hbm>>) target(%dma_start3A_86 : memref<128x128xf32, #tpu.memory_space<vmem>>) offsets(%dma_start3A_88 : memref<128xi32, #tpu.memory_space<vmem>>) semaphore(%arg7 : memref<!tpu.dma_semaphore, #tpu.memory_space<semaphore_mem>>)
      %dma_start3A_92 = arith.constant 256 : i32
      %dma_start3A_93 = arith.constant 0 : i32
      %dma_start3A_94 = tpu.memref_slice %arg6[%dma_start3A_92, %dma_start3A_93] : memref<768x128xf32, #tpu.memory_space<vmem>> -> memref<128x128xf32, #tpu.memory_space<vmem>>
      %dma_start3A_95 = arith.constant 256 : i32
      %dma_start3A_96 = tpu.memref_slice %arg5[%dma_start3A_95] : memref<768xi32, #tpu.memory_space<vmem>> -> memref<128xi32, #tpu.memory_space<vmem>>
      %dma_start3A_97 = arith.constant 0 : i32
      %dma_start3A_98 = arith.constant 0 : i32
      %dma_start3A_99 = tpu.memref_slice %arg2[%dma_start3A_97, %dma_start3A_98] : memref<50001x128xf32, #tpu.memory_space<hbm>> -> memref<50001x128xf32, #tpu.memory_space<hbm>>
      tpu.enqueue_indirect_dma source(%dma_start3A_99 : memref<50001x128xf32, #tpu.memory_space<hbm>>) target(%dma_start3A_94 : memref<128x128xf32, #tpu.memory_space<vmem>>) offsets(%dma_start3A_96 : memref<128xi32, #tpu.memory_space<vmem>>) semaphore(%arg7 : memref<!tpu.dma_semaphore, #tpu.memory_space<semaphore_mem>>)
      %dma_start3A_100 = arith.constant 384 : i32
      %dma_start3A_101 = arith.constant 0 : i32
      %dma_start3A_102 = tpu.memref_slice %arg6[%dma_start3A_100, %dma_start3A_101] : memref<768x128xf32, #tpu.memory_space<vmem>> -> memref<128x128xf32, #tpu.memory_space<vmem>>
      %dma_start3A_103 = arith.constant 384 : i32
      %dma_start3A_104 = tpu.memref_slice %arg5[%dma_start3A_103] : memref<768xi32, #tpu.memory_space<vmem>> -> memref<128xi32, #tpu.memory_space<vmem>>
      %dma_start3A_105 = arith.constant 0 : i32
      %dma_start3A_106 = arith.constant 0 : i32
      %dma_start3A_107 = tpu.memref_slice %arg2[%dma_start3A_105, %dma_start3A_106] : memref<50001x128xf32, #tpu.memory_space<hbm>> -> memref<50001x128xf32, #tpu.memory_space<hbm>>
      tpu.enqueue_indirect_dma source(%dma_start3A_107 : memref<50001x128xf32, #tpu.memory_space<hbm>>) target(%dma_start3A_102 : memref<128x128xf32, #tpu.memory_space<vmem>>) offsets(%dma_start3A_104 : memref<128xi32, #tpu.memory_space<vmem>>) semaphore(%arg7 : memref<!tpu.dma_semaphore, #tpu.memory_space<semaphore_mem>>)
      %dma_start3A_108 = arith.constant 512 : i32
      %dma_start3A_109 = arith.constant 0 : i32
      %dma_start3A_110 = tpu.memref_slice %arg6[%dma_start3A_108, %dma_start3A_109] : memref<768x128xf32, #tpu.memory_space<vmem>> -> memref<128x128xf32, #tpu.memory_space<vmem>>
      %dma_start3A_111 = arith.constant 512 : i32
      %dma_start3A_112 = tpu.memref_slice %arg5[%dma_start3A_111] : memref<768xi32, #tpu.memory_space<vmem>> -> memref<128xi32, #tpu.memory_space<vmem>>
      %dma_start3A_113 = arith.constant 0 : i32
      %dma_start3A_114 = arith.constant 0 : i32
      %dma_start3A_115 = tpu.memref_slice %arg2[%dma_start3A_113, %dma_start3A_114] : memref<50001x128xf32, #tpu.memory_space<hbm>> -> memref<50001x128xf32, #tpu.memory_space<hbm>>
      tpu.enqueue_indirect_dma source(%dma_start3A_115 : memref<50001x128xf32, #tpu.memory_space<hbm>>) target(%dma_start3A_110 : memref<128x128xf32, #tpu.memory_space<vmem>>) offsets(%dma_start3A_112 : memref<128xi32, #tpu.memory_space<vmem>>) semaphore(%arg7 : memref<!tpu.dma_semaphore, #tpu.memory_space<semaphore_mem>>)
      %dma_start3A_116 = arith.constant 640 : i32
      %dma_start3A_117 = arith.constant 0 : i32
      %dma_start3A_118 = tpu.memref_slice %arg6[%dma_start3A_116, %dma_start3A_117] : memref<768x128xf32, #tpu.memory_space<vmem>> -> memref<128x128xf32, #tpu.memory_space<vmem>>
      %dma_start3A_119 = arith.constant 640 : i32
      %dma_start3A_120 = tpu.memref_slice %arg5[%dma_start3A_119] : memref<768xi32, #tpu.memory_space<vmem>> -> memref<128xi32, #tpu.memory_space<vmem>>
      %dma_start3A_121 = arith.constant 0 : i32
      %dma_start3A_122 = arith.constant 0 : i32
      %dma_start3A_123 = tpu.memref_slice %arg2[%dma_start3A_121, %dma_start3A_122] : memref<50001x128xf32, #tpu.memory_space<hbm>> -> memref<50001x128xf32, #tpu.memory_space<hbm>>
      tpu.enqueue_indirect_dma source(%dma_start3A_123 : memref<50001x128xf32, #tpu.memory_space<hbm>>) target(%dma_start3A_118 : memref<128x128xf32, #tpu.memory_space<vmem>>) offsets(%dma_start3A_120 : memref<128xi32, #tpu.memory_space<vmem>>) semaphore(%arg7 : memref<!tpu.dma_semaphore, #tpu.memory_space<semaphore_mem>>)
      %dma_wait3A_124 = arith.constant 0 : i32
      %dma_wait3A_125 = arith.constant 0 : i32
      %dma_wait3A_126 = tpu.memref_slice %arg6[%dma_wait3A_124, %dma_wait3A_125] : memref<768x128xf32, #tpu.memory_space<vmem>> -> memref<128x128xf32, #tpu.memory_space<vmem>>
      %dma_wait3A_127 = arith.constant 0 : i32
      %dma_wait3A_128 = tpu.memref_slice %arg5[%dma_wait3A_127] : memref<768xi32, #tpu.memory_space<vmem>> -> memref<128xi32, #tpu.memory_space<vmem>>
      %dma_wait3A_129 = arith.constant 0 : i32
      %dma_wait3A_130 = arith.constant 0 : i32
      %dma_wait3A_131 = tpu.memref_slice %arg2[%dma_wait3A_129, %dma_wait3A_130] : memref<50001x128xf32, #tpu.memory_space<hbm>> -> memref<50001x128xf32, #tpu.memory_space<hbm>>
      tpu.wait_indirect_dma semaphore(%arg7 : memref<!tpu.dma_semaphore, #tpu.memory_space<semaphore_mem>>) src(%dma_wait3A_131 : memref<50001x128xf32, #tpu.memory_space<hbm>>) dst(%dma_wait3A_126 : memref<128x128xf32, #tpu.memory_space<vmem>>)
      %dma_wait3A_132 = arith.constant 128 : i32
      %dma_wait3A_133 = arith.constant 0 : i32
      %dma_wait3A_134 = tpu.memref_slice %arg6[%dma_wait3A_132, %dma_wait3A_133] : memref<768x128xf32, #tpu.memory_space<vmem>> -> memref<128x128xf32, #tpu.memory_space<vmem>>
      %dma_wait3A_135 = arith.constant 128 : i32
      %dma_wait3A_136 = tpu.memref_slice %arg5[%dma_wait3A_135] : memref<768xi32, #tpu.memory_space<vmem>> -> memref<128xi32, #tpu.memory_space<vmem>>
      %dma_wait3A_137 = arith.constant 0 : i32
      %dma_wait3A_138 = arith.constant 0 : i32
      %dma_wait3A_139 = tpu.memref_slice %arg2[%dma_wait3A_137, %dma_wait3A_138] : memref<50001x128xf32, #tpu.memory_space<hbm>> -> memref<50001x128xf32, #tpu.memory_space<hbm>>
      tpu.wait_indirect_dma semaphore(%arg7 : memref<!tpu.dma_semaphore, #tpu.memory_space<semaphore_mem>>) src(%dma_wait3A_139 : memref<50001x128xf32, #tpu.memory_space<hbm>>) dst(%dma_wait3A_134 : memref<128x128xf32, #tpu.memory_space<vmem>>)
      %dma_wait3A_140 = arith.constant 256 : i32
      %dma_wait3A_141 = arith.constant 0 : i32
      %dma_wait3A_142 = tpu.memref_slice %arg6[%dma_wait3A_140, %dma_wait3A_141] : memref<768x128xf32, #tpu.memory_space<vmem>> -> memref<128x128xf32, #tpu.memory_space<vmem>>
      %dma_wait3A_143 = arith.constant 256 : i32
      %dma_wait3A_144 = tpu.memref_slice %arg5[%dma_wait3A_143] : memref<768xi32, #tpu.memory_space<vmem>> -> memref<128xi32, #tpu.memory_space<vmem>>
      %dma_wait3A_145 = arith.constant 0 : i32
      %dma_wait3A_146 = arith.constant 0 : i32
      %dma_wait3A_147 = tpu.memref_slice %arg2[%dma_wait3A_145, %dma_wait3A_146] : memref<50001x128xf32, #tpu.memory_space<hbm>> -> memref<50001x128xf32, #tpu.memory_space<hbm>>
      tpu.wait_indirect_dma semaphore(%arg7 : memref<!tpu.dma_semaphore, #tpu.memory_space<semaphore_mem>>) src(%dma_wait3A_147 : memref<50001x128xf32, #tpu.memory_space<hbm>>) dst(%dma_wait3A_142 : memref<128x128xf32, #tpu.memory_space<vmem>>)
      %dma_wait3A_148 = arith.constant 384 : i32
      %dma_wait3A_149 = arith.constant 0 : i32
      %dma_wait3A_150 = tpu.memref_slice %arg6[%dma_wait3A_148, %dma_wait3A_149] : memref<768x128xf32, #tpu.memory_space<vmem>> -> memref<128x128xf32, #tpu.memory_space<vmem>>
      %dma_wait3A_151 = arith.constant 384 : i32
      %dma_wait3A_152 = tpu.memref_slice %arg5[%dma_wait3A_151] : memref<768xi32, #tpu.memory_space<vmem>> -> memref<128xi32, #tpu.memory_space<vmem>>
      %dma_wait3A_153 = arith.constant 0 : i32
      %dma_wait3A_154 = arith.constant 0 : i32
      %dma_wait3A_155 = tpu.memref_slice %arg2[%dma_wait3A_153, %dma_wait3A_154] : memref<50001x128xf32, #tpu.memory_space<hbm>> -> memref<50001x128xf32, #tpu.memory_space<hbm>>
      tpu.wait_indirect_dma semaphore(%arg7 : memref<!tpu.dma_semaphore, #tpu.memory_space<semaphore_mem>>) src(%dma_wait3A_155 : memref<50001x128xf32, #tpu.memory_space<hbm>>) dst(%dma_wait3A_150 : memref<128x128xf32, #tpu.memory_space<vmem>>)
      %dma_wait3A_156 = arith.constant 512 : i32
      %dma_wait3A_157 = arith.constant 0 : i32
      %dma_wait3A_158 = tpu.memref_slice %arg6[%dma_wait3A_156, %dma_wait3A_157] : memref<768x128xf32, #tpu.memory_space<vmem>> -> memref<128x128xf32, #tpu.memory_space<vmem>>
      %dma_wait3A_159 = arith.constant 512 : i32
      %dma_wait3A_160 = tpu.memref_slice %arg5[%dma_wait3A_159] : memref<768xi32, #tpu.memory_space<vmem>> -> memref<128xi32, #tpu.memory_space<vmem>>
      %dma_wait3A_161 = arith.constant 0 : i32
      %dma_wait3A_162 = arith.constant 0 : i32
      %dma_wait3A_163 = tpu.memref_slice %arg2[%dma_wait3A_161, %dma_wait3A_162] : memref<50001x128xf32, #tpu.memory_space<hbm>> -> memref<50001x128xf32, #tpu.memory_space<hbm>>
      tpu.wait_indirect_dma semaphore(%arg7 : memref<!tpu.dma_semaphore, #tpu.memory_space<semaphore_mem>>) src(%dma_wait3A_163 : memref<50001x128xf32, #tpu.memory_space<hbm>>) dst(%dma_wait3A_158 : memref<128x128xf32, #tpu.memory_space<vmem>>)
      %dma_wait3A_164 = arith.constant 640 : i32
      %dma_wait3A_165 = arith.constant 0 : i32
      %dma_wait3A_166 = tpu.memref_slice %arg6[%dma_wait3A_164, %dma_wait3A_165] : memref<768x128xf32, #tpu.memory_space<vmem>> -> memref<128x128xf32, #tpu.memory_space<vmem>>
      %dma_wait3A_167 = arith.constant 640 : i32
      %dma_wait3A_168 = tpu.memref_slice %arg5[%dma_wait3A_167] : memref<768xi32, #tpu.memory_space<vmem>> -> memref<128xi32, #tpu.memory_space<vmem>>
      %dma_wait3A_169 = arith.constant 0 : i32
      %dma_wait3A_170 = arith.constant 0 : i32
      %dma_wait3A_171 = tpu.memref_slice %arg2[%dma_wait3A_169, %dma_wait3A_170] : memref<50001x128xf32, #tpu.memory_space<hbm>> -> memref<50001x128xf32, #tpu.memory_space<hbm>>
      tpu.wait_indirect_dma semaphore(%arg7 : memref<!tpu.dma_semaphore, #tpu.memory_space<semaphore_mem>>) src(%dma_wait3A_171 : memref<50001x128xf32, #tpu.memory_space<hbm>>) dst(%dma_wait3A_166 : memref<128x128xf32, #tpu.memory_space<vmem>>)
      "tpu.region"() ({
        %run_scoped3A = tpu.sem_alloc : memref<!tpu.dma_semaphore, #tpu.memory_space<semaphore_mem>>
        %dma_start3A_172 = arith.constant 0 : i32
        %dma_start3A_173 = tpu.memref_slice %arg4[%add3A_75, %dma_start3A_172] : memref<800000x128xf32, #tpu.memory_space<hbm>> -> memref<768x128xf32, #tpu.memory_space<hbm>>
        %dma_start3A_174 = arith.constant 0 : i32
        %dma_start3A_175 = tpu.memref_slice %arg4[%add3A_75, %dma_start3A_174] : memref<800000x128xf32, #tpu.memory_space<hbm>> -> memref<768x128xf32, #tpu.memory_space<hbm>>
        tpu.enqueue_dma source(%arg6 : memref<768x128xf32, #tpu.memory_space<vmem>>) target(%dma_start3A_175 : memref<768x128xf32, #tpu.memory_space<hbm>>) target_semaphore(%run_scoped3A : memref<!tpu.dma_semaphore, #tpu.memory_space<semaphore_mem>>)
        %dma_wait3A_176 = arith.constant 0 : i32
        %dma_wait3A_177 = tpu.memref_slice %arg4[%add3A_75, %dma_wait3A_176] : memref<800000x128xf32, #tpu.memory_space<hbm>> -> memref<768x128xf32, #tpu.memory_space<hbm>>
        %dma_wait3A_178 = arith.constant 0 : i32
        %dma_wait3A_179 = tpu.memref_slice %arg4[%add3A_75, %dma_wait3A_178] : memref<800000x128xf32, #tpu.memory_space<hbm>> -> memref<768x128xf32, #tpu.memory_space<hbm>>
        tpu.wait_dma2 semaphore(%run_scoped3A : memref<!tpu.dma_semaphore, #tpu.memory_space<semaphore_mem>>) src(%arg6 : memref<768x128xf32, #tpu.memory_space<vmem>>) dst(%dma_wait3A_179 : memref<768x128xf32, #tpu.memory_space<hbm>>)
        tpu.yield
      }) : () -> ()
    }
    %scan3A_7 = arith.constant 32 : i32
    %add3A_8 = arith.constant 24576 : i32
    %add3A_9 = arith.addi %mul3A_2, %add3A_8 : i32
    "tpu.region"() ({
      %run_scoped3A = tpu.sem_alloc : memref<!tpu.dma_semaphore, #tpu.memory_space<semaphore_mem>>
      %dma_start3A_72 = arith.constant 0 : i32
      %dma_start3A_73 = tpu.memref_slice %arg5[%dma_start3A_72] : memref<768xi32, #tpu.memory_space<vmem>> -> memref<424xi32, #tpu.memory_space<vmem>>
      %dma_start3A_74 = tpu.memref_slice %arg3[%add3A_9] : memref<800000xi32, #tpu.memory_space<hbm>> -> memref<424xi32, #tpu.memory_space<hbm>>
      %dma_start3A_75 = arith.constant 0 : i32
      %dma_start3A_76 = tpu.memref_slice %arg5[%dma_start3A_75] : memref<768xi32, #tpu.memory_space<vmem>> -> memref<424xi32, #tpu.memory_space<vmem>>
      %dma_start3A_77 = tpu.memref_slice %arg3[%add3A_9] : memref<800000xi32, #tpu.memory_space<hbm>> -> memref<424xi32, #tpu.memory_space<hbm>>
      tpu.enqueue_dma source(%dma_start3A_77 : memref<424xi32, #tpu.memory_space<hbm>>) target(%dma_start3A_76 : memref<424xi32, #tpu.memory_space<vmem>>) target_semaphore(%run_scoped3A : memref<!tpu.dma_semaphore, #tpu.memory_space<semaphore_mem>>)
      %dma_wait3A_78 = arith.constant 0 : i32
      %dma_wait3A_79 = tpu.memref_slice %arg5[%dma_wait3A_78] : memref<768xi32, #tpu.memory_space<vmem>> -> memref<424xi32, #tpu.memory_space<vmem>>
      %dma_wait3A_80 = tpu.memref_slice %arg3[%add3A_9] : memref<800000xi32, #tpu.memory_space<hbm>> -> memref<424xi32, #tpu.memory_space<hbm>>
      %dma_wait3A_81 = arith.constant 0 : i32
      %dma_wait3A_82 = tpu.memref_slice %arg5[%dma_wait3A_81] : memref<768xi32, #tpu.memory_space<vmem>> -> memref<424xi32, #tpu.memory_space<vmem>>
      %dma_wait3A_83 = tpu.memref_slice %arg3[%add3A_9] : memref<800000xi32, #tpu.memory_space<hbm>> -> memref<424xi32, #tpu.memory_space<hbm>>
      tpu.wait_dma2 semaphore(%run_scoped3A : memref<!tpu.dma_semaphore, #tpu.memory_space<semaphore_mem>>) src(%dma_wait3A_83 : memref<424xi32, #tpu.memory_space<hbm>>) dst(%dma_wait3A_82 : memref<424xi32, #tpu.memory_space<vmem>>)
      tpu.yield
    }) : () -> ()
    %dma_start3A = arith.constant 0 : i32
    %dma_start3A_10 = arith.constant 0 : i32
    %dma_start3A_11 = tpu.memref_slice %arg6[%dma_start3A, %dma_start3A_10] : memref<768x128xf32, #tpu.memory_space<vmem>> -> memref<128x128xf32, #tpu.memory_space<vmem>>
    %dma_start3A_12 = arith.constant 0 : i32
    %dma_start3A_13 = tpu.memref_slice %arg5[%dma_start3A_12] : memref<768xi32, #tpu.memory_space<vmem>> -> memref<128xi32, #tpu.memory_space<vmem>>
    %dma_start3A_14 = arith.constant 0 : i32
    %dma_start3A_15 = arith.constant 0 : i32
    %dma_start3A_16 = tpu.memref_slice %arg2[%dma_start3A_14, %dma_start3A_15] : memref<50001x128xf32, #tpu.memory_space<hbm>> -> memref<50001x128xf32, #tpu.memory_space<hbm>>
    tpu.enqueue_indirect_dma source(%dma_start3A_16 : memref<50001x128xf32, #tpu.memory_space<hbm>>) target(%dma_start3A_11 : memref<128x128xf32, #tpu.memory_space<vmem>>) offsets(%dma_start3A_13 : memref<128xi32, #tpu.memory_space<vmem>>) semaphore(%arg7 : memref<!tpu.dma_semaphore, #tpu.memory_space<semaphore_mem>>)
    %dma_start3A_17 = arith.constant 128 : i32
    %dma_start3A_18 = arith.constant 0 : i32
    %dma_start3A_19 = tpu.memref_slice %arg6[%dma_start3A_17, %dma_start3A_18] : memref<768x128xf32, #tpu.memory_space<vmem>> -> memref<128x128xf32, #tpu.memory_space<vmem>>
    %dma_start3A_20 = arith.constant 128 : i32
    %dma_start3A_21 = tpu.memref_slice %arg5[%dma_start3A_20] : memref<768xi32, #tpu.memory_space<vmem>> -> memref<128xi32, #tpu.memory_space<vmem>>
    %dma_start3A_22 = arith.constant 0 : i32
    %dma_start3A_23 = arith.constant 0 : i32
    %dma_start3A_24 = tpu.memref_slice %arg2[%dma_start3A_22, %dma_start3A_23] : memref<50001x128xf32, #tpu.memory_space<hbm>> -> memref<50001x128xf32, #tpu.memory_space<hbm>>
    tpu.enqueue_indirect_dma source(%dma_start3A_24 : memref<50001x128xf32, #tpu.memory_space<hbm>>) target(%dma_start3A_19 : memref<128x128xf32, #tpu.memory_space<vmem>>) offsets(%dma_start3A_21 : memref<128xi32, #tpu.memory_space<vmem>>) semaphore(%arg7 : memref<!tpu.dma_semaphore, #tpu.memory_space<semaphore_mem>>)
    %dma_start3A_25 = arith.constant 256 : i32
    %dma_start3A_26 = arith.constant 0 : i32
    %dma_start3A_27 = tpu.memref_slice %arg6[%dma_start3A_25, %dma_start3A_26] : memref<768x128xf32, #tpu.memory_space<vmem>> -> memref<128x128xf32, #tpu.memory_space<vmem>>
    %dma_start3A_28 = arith.constant 256 : i32
    %dma_start3A_29 = tpu.memref_slice %arg5[%dma_start3A_28] : memref<768xi32, #tpu.memory_space<vmem>> -> memref<128xi32, #tpu.memory_space<vmem>>
    %dma_start3A_30 = arith.constant 0 : i32
    %dma_start3A_31 = arith.constant 0 : i32
    %dma_start3A_32 = tpu.memref_slice %arg2[%dma_start3A_30, %dma_start3A_31] : memref<50001x128xf32, #tpu.memory_space<hbm>> -> memref<50001x128xf32, #tpu.memory_space<hbm>>
    tpu.enqueue_indirect_dma source(%dma_start3A_32 : memref<50001x128xf32, #tpu.memory_space<hbm>>) target(%dma_start3A_27 : memref<128x128xf32, #tpu.memory_space<vmem>>) offsets(%dma_start3A_29 : memref<128xi32, #tpu.memory_space<vmem>>) semaphore(%arg7 : memref<!tpu.dma_semaphore, #tpu.memory_space<semaphore_mem>>)
    %dma_start3A_33 = arith.constant 384 : i32
    %dma_start3A_34 = arith.constant 0 : i32
    %dma_start3A_35 = tpu.memref_slice %arg6[%dma_start3A_33, %dma_start3A_34] : memref<768x128xf32, #tpu.memory_space<vmem>> -> memref<40x128xf32, #tpu.memory_space<vmem>>
    %dma_start3A_36 = arith.constant 384 : i32
    %dma_start3A_37 = tpu.memref_slice %arg5[%dma_start3A_36] : memref<768xi32, #tpu.memory_space<vmem>> -> memref<40xi32, #tpu.memory_space<vmem>>
    %dma_start3A_38 = arith.constant 0 : i32
    %dma_start3A_39 = arith.constant 0 : i32
    %dma_start3A_40 = tpu.memref_slice %arg2[%dma_start3A_38, %dma_start3A_39] : memref<50001x128xf32, #tpu.memory_space<hbm>> -> memref<50001x128xf32, #tpu.memory_space<hbm>>
    tpu.enqueue_indirect_dma source(%dma_start3A_40 : memref<50001x128xf32, #tpu.memory_space<hbm>>) target(%dma_start3A_35 : memref<40x128xf32, #tpu.memory_space<vmem>>) offsets(%dma_start3A_37 : memref<40xi32, #tpu.memory_space<vmem>>) semaphore(%arg7 : memref<!tpu.dma_semaphore, #tpu.memory_space<semaphore_mem>>)
    %dma_wait3A = arith.constant 0 : i32
    %dma_wait3A_41 = arith.constant 0 : i32
    %dma_wait3A_42 = tpu.memref_slice %arg6[%dma_wait3A, %dma_wait3A_41] : memref<768x128xf32, #tpu.memory_space<vmem>> -> memref<128x128xf32, #tpu.memory_space<vmem>>
    %dma_wait3A_43 = arith.constant 0 : i32
    %dma_wait3A_44 = tpu.memref_slice %arg5[%dma_wait3A_43] : memref<768xi32, #tpu.memory_space<vmem>> -> memref<128xi32, #tpu.memory_space<vmem>>
    %dma_wait3A_45 = arith.constant 0 : i32
    %dma_wait3A_46 = arith.constant 0 : i32
    %dma_wait3A_47 = tpu.memref_slice %arg2[%dma_wait3A_45, %dma_wait3A_46] : memref<50001x128xf32, #tpu.memory_space<hbm>> -> memref<50001x128xf32, #tpu.memory_space<hbm>>
    tpu.wait_indirect_dma semaphore(%arg7 : memref<!tpu.dma_semaphore, #tpu.memory_space<semaphore_mem>>) src(%dma_wait3A_47 : memref<50001x128xf32, #tpu.memory_space<hbm>>) dst(%dma_wait3A_42 : memref<128x128xf32, #tpu.memory_space<vmem>>)
    %dma_wait3A_48 = arith.constant 128 : i32
    %dma_wait3A_49 = arith.constant 0 : i32
    %dma_wait3A_50 = tpu.memref_slice %arg6[%dma_wait3A_48, %dma_wait3A_49] : memref<768x128xf32, #tpu.memory_space<vmem>> -> memref<128x128xf32, #tpu.memory_space<vmem>>
    %dma_wait3A_51 = arith.constant 128 : i32
    %dma_wait3A_52 = tpu.memref_slice %arg5[%dma_wait3A_51] : memref<768xi32, #tpu.memory_space<vmem>> -> memref<128xi32, #tpu.memory_space<vmem>>
    %dma_wait3A_53 = arith.constant 0 : i32
    %dma_wait3A_54 = arith.constant 0 : i32
    %dma_wait3A_55 = tpu.memref_slice %arg2[%dma_wait3A_53, %dma_wait3A_54] : memref<50001x128xf32, #tpu.memory_space<hbm>> -> memref<50001x128xf32, #tpu.memory_space<hbm>>
    tpu.wait_indirect_dma semaphore(%arg7 : memref<!tpu.dma_semaphore, #tpu.memory_space<semaphore_mem>>) src(%dma_wait3A_55 : memref<50001x128xf32, #tpu.memory_space<hbm>>) dst(%dma_wait3A_50 : memref<128x128xf32, #tpu.memory_space<vmem>>)
    %dma_wait3A_56 = arith.constant 256 : i32
    %dma_wait3A_57 = arith.constant 0 : i32
    %dma_wait3A_58 = tpu.memref_slice %arg6[%dma_wait3A_56, %dma_wait3A_57] : memref<768x128xf32, #tpu.memory_space<vmem>> -> memref<128x128xf32, #tpu.memory_space<vmem>>
    %dma_wait3A_59 = arith.constant 256 : i32
    %dma_wait3A_60 = tpu.memref_slice %arg5[%dma_wait3A_59] : memref<768xi32, #tpu.memory_space<vmem>> -> memref<128xi32, #tpu.memory_space<vmem>>
    %dma_wait3A_61 = arith.constant 0 : i32
    %dma_wait3A_62 = arith.constant 0 : i32
    %dma_wait3A_63 = tpu.memref_slice %arg2[%dma_wait3A_61, %dma_wait3A_62] : memref<50001x128xf32, #tpu.memory_space<hbm>> -> memref<50001x128xf32, #tpu.memory_space<hbm>>
    tpu.wait_indirect_dma semaphore(%arg7 : memref<!tpu.dma_semaphore, #tpu.memory_space<semaphore_mem>>) src(%dma_wait3A_63 : memref<50001x128xf32, #tpu.memory_space<hbm>>) dst(%dma_wait3A_58 : memref<128x128xf32, #tpu.memory_space<vmem>>)
    %dma_wait3A_64 = arith.constant 384 : i32
    %dma_wait3A_65 = arith.constant 0 : i32
    %dma_wait3A_66 = tpu.memref_slice %arg6[%dma_wait3A_64, %dma_wait3A_65] : memref<768x128xf32, #tpu.memory_space<vmem>> -> memref<40x128xf32, #tpu.memory_space<vmem>>
    %dma_wait3A_67 = arith.constant 384 : i32
    %dma_wait3A_68 = tpu.memref_slice %arg5[%dma_wait3A_67] : memref<768xi32, #tpu.memory_space<vmem>> -> memref<40xi32, #tpu.memory_space<vmem>>
    %dma_wait3A_69 = arith.constant 0 : i32
    %dma_wait3A_70 = arith.constant 0 : i32
    %dma_wait3A_71 = tpu.memref_slice %arg2[%dma_wait3A_69, %dma_wait3A_70] : memref<50001x128xf32, #tpu.memory_space<hbm>> -> memref<50001x128xf32, #tpu.memory_space<hbm>>
    tpu.wait_indirect_dma semaphore(%arg7 : memref<!tpu.dma_semaphore, #tpu.memory_space<semaphore_mem>>) src(%dma_wait3A_71 : memref<50001x128xf32, #tpu.memory_space<hbm>>) dst(%dma_wait3A_66 : memref<40x128xf32, #tpu.memory_space<vmem>>)
    "tpu.region"() ({
      %run_scoped3A = tpu.sem_alloc : memref<!tpu.dma_semaphore, #tpu.memory_space<semaphore_mem>>
      %dma_start3A_72 = arith.constant 0 : i32
      %dma_start3A_73 = arith.constant 0 : i32
      %dma_start3A_74 = tpu.memref_slice %arg6[%dma_start3A_72, %dma_start3A_73] : memref<768x128xf32, #tpu.memory_space<vmem>> -> memref<424x128xf32, #tpu.memory_space<vmem>>
      %dma_start3A_75 = arith.constant 0 : i32
      %dma_start3A_76 = tpu.memref_slice %arg4[%add3A_9, %dma_start3A_75] : memref<800000x128xf32, #tpu.memory_space<hbm>> -> memref<424x128xf32, #tpu.memory_space<hbm>>
      %dma_start3A_77 = arith.constant 0 : i32
      %dma_start3A_78 = tpu.memref_slice %arg4[%add3A_9, %dma_start3A_77] : memref<800000x128xf32, #tpu.memory_space<hbm>> -> memref<424x128xf32, #tpu.memory_space<hbm>>
      %dma_start3A_79 = arith.constant 0 : i32
      %dma_start3A_80 = arith.constant 0 : i32
      %dma_start3A_81 = tpu.memref_slice %arg6[%dma_start3A_79, %dma_start3A_80] : memref<768x128xf32, #tpu.memory_space<vmem>> -> memref<424x128xf32, #tpu.memory_space<vmem>>
      tpu.enqueue_dma source(%dma_start3A_81 : memref<424x128xf32, #tpu.memory_space<vmem>>) target(%dma_start3A_78 : memref<424x128xf32, #tpu.memory_space<hbm>>) target_semaphore(%run_scoped3A : memref<!tpu.dma_semaphore, #tpu.memory_space<semaphore_mem>>)
      %dma_wait3A_82 = arith.constant 0 : i32
      %dma_wait3A_83 = arith.constant 0 : i32
      %dma_wait3A_84 = tpu.memref_slice %arg6[%dma_wait3A_82, %dma_wait3A_83] : memref<768x128xf32, #tpu.memory_space<vmem>> -> memref<424x128xf32, #tpu.memory_space<vmem>>
      %dma_wait3A_85 = arith.constant 0 : i32
      %dma_wait3A_86 = tpu.memref_slice %arg4[%add3A_9, %dma_wait3A_85] : memref<800000x128xf32, #tpu.memory_space<hbm>> -> memref<424x128xf32, #tpu.memory_space<hbm>>
      %dma_wait3A_87 = arith.constant 0 : i32
      %dma_wait3A_88 = tpu.memref_slice %arg4[%add3A_9, %dma_wait3A_87] : memref<800000x128xf32, #tpu.memory_space<hbm>> -> memref<424x128xf32, #tpu.memory_space<hbm>>
      %dma_wait3A_89 = arith.constant 0 : i32
      %dma_wait3A_90 = arith.constant 0 : i32
      %dma_wait3A_91 = tpu.memref_slice %arg6[%dma_wait3A_89, %dma_wait3A_90] : memref<768x128xf32, #tpu.memory_space<vmem>> -> memref<424x128xf32, #tpu.memory_space<vmem>>
      tpu.wait_dma2 semaphore(%run_scoped3A : memref<!tpu.dma_semaphore, #tpu.memory_space<semaphore_mem>>) src(%dma_wait3A_91 : memref<424x128xf32, #tpu.memory_space<vmem>>) dst(%dma_wait3A_88 : memref<424x128xf32, #tpu.memory_space<hbm>>)
      tpu.yield
    }) : () -> ()
    return
  }
}

module attributes {stable_mosaic.version = 14 : i64} {
  func.func @_mm_stats_body(%arg0: i32, %arg1: memref<1000x128xf32, #tpu.memory_space<vmem>>, %arg2: memref<128x32xf32, #tpu.memory_space<vmem>>, %arg3: memref<1000x32xf32, #tpu.memory_space<vmem>>, %arg4: memref<1x32xf32, #tpu.memory_space<vmem>>, %arg5: memref<1x32xf32, #tpu.memory_space<vmem>>) attributes {dimension_semantics = [#tpu.dimension_semantics<arbitrary>], iteration_bounds = array<i64: 50>, scalar_prefetch = 0 : i64, scratch_operands = 0 : i64, tpu.core_type = #tpu.core_type<tc>, window_params = [{transform_indices = @transform_0, window_bounds = array<i64: 1000, 128>}, {pipeline_mode = #tpu.pipeline_mode<synchronous>, transform_indices = @transform_1, window_bounds = array<i64: 128, 32>}, {transform_indices = @transform_2, window_bounds = array<i64: 1000, 32>}, {pipeline_mode = #tpu.pipeline_mode<synchronous>, transform_indices = @transform_3, window_bounds = array<i64: 1, 32>}, {pipeline_mode = #tpu.pipeline_mode<synchronous>, transform_indices = @transform_4, window_bounds = array<i64: 1, 32>}]} {
    %get3A = arith.constant 0 : index
    %get3A_0 = arith.constant 0 : index
    %get3A_1 = vector.load %arg1[%get3A, %get3A_0] : memref<1000x128xf32, #tpu.memory_space<vmem>>, vector<1000x128xf32>
    %get3A_2 = arith.constant 0 : index
    %get3A_3 = arith.constant 0 : index
    %get3A_4 = vector.load %arg2[%get3A_2, %get3A_3] : memref<128x32xf32, #tpu.memory_space<vmem>>, vector<128x32xf32>
    %dot_general3A = arith.constant dense<0.000000e+00> : vector<1000x32xf32>
    %dot_general3A_5 = tpu.matmul %get3A_1, %get3A_4, %dot_general3A {dimension_numbers = #tpu.dot_dimension_numbers<[1], [0], [0], [1], [0, 0, 1, 1], [], []>, transpose_lhs_hint = false} : vector<1000x128xf32>, vector<128x32xf32>, vector<1000x32xf32> -> vector<1000x32xf32>
    %swap3A = arith.constant 0 : index
    %swap3A_6 = arith.constant 0 : index
    %swap3A_7 = vector.load %arg3[%swap3A, %swap3A_6] : memref<1000x32xf32, #tpu.memory_space<vmem>>, vector<1000x32xf32>
    tpu.vector_store %arg3[%swap3A, %swap3A_6], %dot_general3A_5 {strides = array<i32>} : memref<1000x32xf32, #tpu.memory_space<vmem>>, vector<1000x32xf32>,
    %eq3A = arith.constant 0 : i32
    %eq3A_8 = arith.cmpi eq, %arg0, %eq3A : i32
    %convert_element_type3A = arith.extui %eq3A_8 : i1 to i32
    %cond3A = arith.constant 0 : i32
    %cond3A_9 = arith.cmpi ne, %convert_element_type3A, %cond3A : i32
    scf.if %cond3A_9 {
      %broadcast_in_dim3A_27 = arith.constant 0.000000e+00 : f32
      %broadcast_in_dim3A_28 = vector.broadcast %broadcast_in_dim3A_27 : f32 to vector<1x32xf32>
      %swap3A_29 = arith.constant 0 : index
      %swap3A_30 = arith.constant 0 : index
      %swap3A_31 = vector.load %arg4[%swap3A_29, %swap3A_30] : memref<1x32xf32, #tpu.memory_space<vmem>>, vector<1x32xf32>
      tpu.vector_store %arg4[%swap3A_29, %swap3A_30], %broadcast_in_dim3A_28 {strides = array<i32>} : memref<1x32xf32, #tpu.memory_space<vmem>>, vector<1x32xf32>,
      %broadcast_in_dim3A_32 = arith.constant 0.000000e+00 : f32
      %broadcast_in_dim3A_33 = vector.broadcast %broadcast_in_dim3A_32 : f32 to vector<1x32xf32>
      %swap3A_34 = arith.constant 0 : index
      %swap3A_35 = arith.constant 0 : index
      %swap3A_36 = vector.load %arg5[%swap3A_34, %swap3A_35] : memref<1x32xf32, #tpu.memory_space<vmem>>, vector<1x32xf32>
      tpu.vector_store %arg5[%swap3A_34, %swap3A_35], %broadcast_in_dim3A_33 {strides = array<i32>} : memref<1x32xf32, #tpu.memory_space<vmem>>, vector<1x32xf32>,
    } else {
    }
    %get3A_10 = arith.constant 0 : index
    %get3A_11 = arith.constant 0 : index
    %get3A_12 = vector.load %arg4[%get3A_10, %get3A_11] : memref<1x32xf32, #tpu.memory_space<vmem>>, vector<1x32xf32>
    %reduce_sum3A = arith.constant dense<0.000000e+00> : vector<32xf32>
    %reduce_sum3A_13 = vector.multi_reduction <add>, %dot_general3A_5, %reduce_sum3A [0] : vector<1000x32xf32> to vector<32xf32>
    %broadcast_in_dim3A = vector.shape_cast %reduce_sum3A_13 : vector<32xf32> to vector<1x32xf32>
    %add3A = arith.addf %get3A_12, %broadcast_in_dim3A : vector<1x32xf32>
    %swap3A_14 = arith.constant 0 : index
    %swap3A_15 = arith.constant 0 : index
    %swap3A_16 = vector.load %arg4[%swap3A_14, %swap3A_15] : memref<1x32xf32, #tpu.memory_space<vmem>>, vector<1x32xf32>
    tpu.vector_store %arg4[%swap3A_14, %swap3A_15], %add3A {strides = array<i32>} : memref<1x32xf32, #tpu.memory_space<vmem>>, vector<1x32xf32>,
    %get3A_17 = arith.constant 0 : index
    %get3A_18 = arith.constant 0 : index
    %get3A_19 = vector.load %arg5[%get3A_17, %get3A_18] : memref<1x32xf32, #tpu.memory_space<vmem>>, vector<1x32xf32>
    %mul3A = arith.mulf %dot_general3A_5, %dot_general3A_5 : vector<1000x32xf32>
    %reduce_sum3A_20 = arith.constant dense<0.000000e+00> : vector<32xf32>
    %reduce_sum3A_21 = vector.multi_reduction <add>, %mul3A, %reduce_sum3A_20 [0] : vector<1000x32xf32> to vector<32xf32>
    %broadcast_in_dim3A_22 = vector.shape_cast %reduce_sum3A_21 : vector<32xf32> to vector<1x32xf32>
    %add3A_23 = arith.addf %get3A_19, %broadcast_in_dim3A_22 : vector<1x32xf32>
    %swap3A_24 = arith.constant 0 : index
    %swap3A_25 = arith.constant 0 : index
    %swap3A_26 = vector.load %arg5[%swap3A_24, %swap3A_25] : memref<1x32xf32, #tpu.memory_space<vmem>>, vector<1x32xf32>
    tpu.vector_store %arg5[%swap3A_24, %swap3A_25], %add3A_23 {strides = array<i32>} : memref<1x32xf32, #tpu.memory_space<vmem>>, vector<1x32xf32>,
    return
  }
  func.func @transform_0(%arg0: i32) -> (i32, i32) {
    %c0_i32 = arith.constant 0 : i32
    %c0_i32_0 = arith.constant 0 : i32
    return %arg0, %c0_i32 : i32, i32
  }
  func.func @transform_1(%arg0: i32) -> (i32, i32) {
    %c0_i32 = arith.constant 0 : i32
    %c0_i32_0 = arith.constant 0 : i32
    %c0_i32_1 = arith.constant 0 : i32
    return %c0_i32, %c0_i32_0 : i32, i32
  }
  func.func @transform_2(%arg0: i32) -> (i32, i32) {
    %c0_i32 = arith.constant 0 : i32
    %c0_i32_0 = arith.constant 0 : i32
    return %arg0, %c0_i32 : i32, i32
  }
  func.func @transform_3(%arg0: i32) -> (i32, i32) {
    %c0_i32 = arith.constant 0 : i32
    %c0_i32_0 = arith.constant 0 : i32
    %c0_i32_1 = arith.constant 0 : i32
    return %c0_i32, %c0_i32_0 : i32, i32
  }
  func.func @transform_4(%arg0: i32) -> (i32, i32) {
    %c0_i32 = arith.constant 0 : i32
    %c0_i32_0 = arith.constant 0 : i32
    %c0_i32_1 = arith.constant 0 : i32
    return %c0_i32, %c0_i32_0 : i32, i32
  }
}

module attributes {stable_mosaic.version = 14 : i64} {
  func.func @_pack_body(%arg0: i32, %arg1: memref<1000x32xf32, #tpu.memory_space<vmem>>, %arg2: memref<1000x3xf32, #tpu.memory_space<vmem>>, %arg3: memref<1x32xf32, #tpu.memory_space<vmem>>, %arg4: memref<1x32xf32, #tpu.memory_space<vmem>>, %arg5: memref<1000x128xf32, #tpu.memory_space<vmem>>) attributes {dimension_semantics = [#tpu.dimension_semantics<arbitrary>], iteration_bounds = array<i64: 50>, scalar_prefetch = 0 : i64, scratch_operands = 0 : i64, tpu.core_type = #tpu.core_type<tc>, window_params = [{transform_indices = @transform_0, window_bounds = array<i64: 1000, 32>}, {transform_indices = @transform_1, window_bounds = array<i64: 1000, 3>}, {pipeline_mode = #tpu.pipeline_mode<synchronous>, transform_indices = @transform_2, window_bounds = array<i64: 1, 32>}, {pipeline_mode = #tpu.pipeline_mode<synchronous>, transform_indices = @transform_3, window_bounds = array<i64: 1, 32>}, {transform_indices = @transform_4, window_bounds = array<i64: 1000, 128>}]} {
    %get3A = arith.constant 0 : index
    %get3A_0 = arith.constant 0 : index
    %get3A_1 = vector.load %arg1[%get3A, %get3A_0] : memref<1000x32xf32, #tpu.memory_space<vmem>>, vector<1000x32xf32>
    %get3A_2 = arith.constant 0 : index
    %get3A_3 = arith.constant 0 : index
    %get3A_4 = vector.load %arg3[%get3A_2, %get3A_3] : memref<1x32xf32, #tpu.memory_space<vmem>>, vector<1x32xf32>
    %mul3A = vector.broadcast %get3A_4 : vector<1x32xf32> to vector<1000x32xf32>
    %mul3A_5 = arith.mulf %get3A_1, %mul3A : vector<1000x32xf32>
    %get3A_6 = arith.constant 0 : index
    %get3A_7 = arith.constant 0 : index
    %get3A_8 = vector.load %arg4[%get3A_6, %get3A_7] : memref<1x32xf32, #tpu.memory_space<vmem>>, vector<1x32xf32>
    %add3A = vector.broadcast %get3A_8 : vector<1x32xf32> to vector<1000x32xf32>
    %add3A_9 = arith.addf %mul3A_5, %add3A : vector<1000x32xf32>
    %ge3A = arith.constant 0.000000e+00 : f32
    %ge3A_10 = vector.broadcast %ge3A : f32 to vector<1000x32xf32>
    %ge3A_11 = arith.cmpf oge, %add3A_9, %ge3A_10 : vector<1000x32xf32>
    %mul3A_12 = arith.constant 2.000000e-01 : f32
    %mul3A_13 = vector.broadcast %mul3A_12 : f32 to vector<1000x32xf32>
    %mul3A_14 = arith.mulf %mul3A_13, %add3A_9 : vector<1000x32xf32>
    %select_n3A = arith.select %ge3A_11, %add3A_9, %mul3A_14 : vector<1000x32xi1>, vector<1000x32xf32>
    %broadcast_in_dim3A = arith.constant 0.000000e+00 : f32
    %broadcast_in_dim3A_15 = vector.broadcast %broadcast_in_dim3A : f32 to vector<1000x93xf32>
    %get3A_16 = arith.constant 0 : index
    %get3A_17 = arith.constant 0 : index
    %get3A_18 = vector.load %arg2[%get3A_16, %get3A_17] : memref<1000x3xf32, #tpu.memory_space<vmem>>, vector<1000x3xf32>
    %concatenate3A = tpu.concatenate %select_n3A, %get3A_18, %broadcast_in_dim3A_15 in 1 : vector<1000x32xf32>, vector<1000x3xf32>, vector<1000x93xf32> -> vector<1000x128xf32>
    %swap3A = arith.constant 0 : index
    %swap3A_19 = arith.constant 0 : index
    %swap3A_20 = vector.load %arg5[%swap3A, %swap3A_19] : memref<1000x128xf32, #tpu.memory_space<vmem>>, vector<1000x128xf32>
    tpu.vector_store %arg5[%swap3A, %swap3A_19], %concatenate3A {strides = array<i32>} : memref<1000x128xf32, #tpu.memory_space<vmem>>, vector<1000x128xf32>,
    return
  }
  func.func @transform_0(%arg0: i32) -> (i32, i32) {
    %c0_i32 = arith.constant 0 : i32
    %c0_i32_0 = arith.constant 0 : i32
    return %arg0, %c0_i32 : i32, i32
  }
  func.func @transform_1(%arg0: i32) -> (i32, i32) {
    %c0_i32 = arith.constant 0 : i32
    %c0_i32_0 = arith.constant 0 : i32
    return %arg0, %c0_i32 : i32, i32
  }
  func.func @transform_2(%arg0: i32) -> (i32, i32) {
    %c0_i32 = arith.constant 0 : i32
    %c0_i32_0 = arith.constant 0 : i32
    %c0_i32_1 = arith.constant 0 : i32
    return %c0_i32, %c0_i32_0 : i32, i32
  }
  func.func @transform_3(%arg0: i32) -> (i32, i32) {
    %c0_i32 = arith.constant 0 : i32
    %c0_i32_0 = arith.constant 0 : i32
    %c0_i32_1 = arith.constant 0 : i32
    return %c0_i32, %c0_i32_0 : i32, i32
  }
  func.func @transform_4(%arg0: i32) -> (i32, i32) {
    %c0_i32 = arith.constant 0 : i32
    %c0_i32_0 = arith.constant 0 : i32
    return %arg0, %c0_i32 : i32, i32
  }
}

module attributes {stable_mosaic.version = 14 : i64} {
  func.func @_kpconv_body(%arg0: i32, %arg1: memref<16x1000x128xf32, #tpu.memory_space<vmem>>, %arg2: memref<1000x3xf32, #tpu.memory_space<vmem>>, %arg3: memref<3x15xf32, #tpu.memory_space<vmem>>, %arg4: memref<1x15xf32, #tpu.memory_space<vmem>>, %arg5: memref<15x480xf32, #tpu.memory_space<vmem>>, %arg6: memref<32x480xf32, #tpu.memory_space<vmem>>, %arg7: memref<480x32xf32, #tpu.memory_space<vmem>>, %arg8: memref<1000x32xf32, #tpu.memory_space<vmem>>, %arg9: memref<1x32xf32, #tpu.memory_space<vmem>>, %arg10: memref<1x32xf32, #tpu.memory_space<vmem>>) attributes {dimension_semantics = [#tpu.dimension_semantics<arbitrary>], iteration_bounds = array<i64: 50>, scalar_prefetch = 0 : i64, scratch_operands = 0 : i64, tpu.core_type = #tpu.core_type<tc>, window_params = [{transform_indices = @transform_0, window_bounds = array<i64: 16, 1000, 128>}, {transform_indices = @transform_1, window_bounds = array<i64: 1000, 3>}, {pipeline_mode = #tpu.pipeline_mode<synchronous>, transform_indices = @transform_2, window_bounds = array<i64: 3, 15>}, {pipeline_mode = #tpu.pipeline_mode<synchronous>, transform_indices = @transform_3, window_bounds = array<i64: 1, 15>}, {pipeline_mode = #tpu.pipeline_mode<synchronous>, transform_indices = @transform_4, window_bounds = array<i64: 15, 480>}, {pipeline_mode = #tpu.pipeline_mode<synchronous>, transform_indices = @transform_5, window_bounds = array<i64: 32, 480>}, {pipeline_mode = #tpu.pipeline_mode<synchronous>, transform_indices = @transform_6, window_bounds = array<i64: 480, 32>}, {transform_indices = @transform_7, window_bounds = array<i64: 1000, 32>}, {pipeline_mode = #tpu.pipeline_mode<synchronous>, transform_indices = @transform_8, window_bounds = array<i64: 1, 32>}, {pipeline_mode = #tpu.pipeline_mode<synchronous>, transform_indices = @transform_9, window_bounds = array<i64: 1, 32>}]} {
    %get3A = arith.constant 0 : index
    %get3A_0 = arith.constant 0 : index
    %get3A_1 = vector.load %arg2[%get3A, %get3A_0] : memref<1000x3xf32, #tpu.memory_space<vmem>>, vector<1000x3xf32>
    %broadcast_in_dim3A = arith.constant 0.000000e+00 : f32
    %broadcast_in_dim3A_2 = vector.broadcast %broadcast_in_dim3A : f32 to vector<1000x480xf32>
    %get3A_3 = arith.constant 0 : index
    %get3A_4 = arith.constant 0 : index
    %get3A_5 = arith.constant 0 : index
    %get3A_6 = vector.load %arg1[%get3A_3, %get3A_4, %get3A_5] : memref<16x1000x128xf32, #tpu.memory_space<vmem>>, vector<1x1000x128xf32>
    %get3A_7 = vector.shape_cast %get3A_6 : vector<1x1000x128xf32> to vector<1000x128xf32>
    %slice3A = vector.extract_strided_slice %get3A_7 {offsets = [0, 0], sizes = [1000, 32], strides = [1, 1]} : vector<1000x128xf32> to vector<1000x32xf32>
    %slice3A_8 = vector.extract_strided_slice %get3A_7 {offsets = [0, 32], sizes = [1000, 3], strides = [1, 1]} : vector<1000x128xf32> to vector<1000x3xf32>
    %sub3A = arith.subf %slice3A_8, %get3A_1 : vector<1000x3xf32>
    %get3A_9 = arith.constant 0 : index
    %get3A_10 = arith.constant 0 : index
    %get3A_11 = vector.load %arg3[%get3A_9, %get3A_10] : memref<3x15xf32, #tpu.memory_space<vmem>>, vector<3x15xf32>
    %dot_general3A = arith.constant dense<0.000000e+00> : vector<1000x15xf32>
    %dot_general3A_12 = tpu.matmul %sub3A, %get3A_11, %dot_general3A {dimension_numbers = #tpu.dot_dimension_numbers<[1], [0], [0], [1], [0, 0, 1, 1], [], []>, transpose_lhs_hint = false} : vector<1000x3xf32>, vector<3x15xf32>, vector<1000x15xf32> -> vector<1000x15xf32>
    %mul3A = arith.mulf %sub3A, %sub3A : vector<1000x3xf32>
    %reduce_sum3A = arith.constant dense<0.000000e+00> : vector<1000xf32>
    %reduce_sum3A_13 = vector.multi_reduction <add>, %mul3A, %reduce_sum3A [1] : vector<1000x3xf32> to vector<1000xf32>
    %broadcast_in_dim3A_14 = vector.shape_cast %reduce_sum3A_13 : vector<1000xf32> to vector<1000x1xf32>
    %mul3A_15 = arith.constant 2.000000e+00 : f32
    %mul3A_16 = vector.broadcast %mul3A_15 : f32 to vector<1000x15xf32>
    %mul3A_17 = arith.mulf %mul3A_16, %dot_general3A_12 : vector<1000x15xf32>
    %sub3A_18 = vector.broadcast %broadcast_in_dim3A_14 : vector<1000x1xf32> to vector<1000x15xf32>
    %sub3A_19 = arith.subf %sub3A_18, %mul3A_17 : vector<1000x15xf32>
    %get3A_20 = arith.constant 0 : index
    %get3A_21 = arith.constant 0 : index
    %get3A_22 = vector.load %arg4[%get3A_20, %get3A_21] : memref<1x15xf32, #tpu.memory_space<vmem>>, vector<1x15xf32>
    %add3A = vector.broadcast %get3A_22 : vector<1x15xf32> to vector<1000x15xf32>
    %add3A_23 = arith.addf %sub3A_19, %add3A : vector<1000x15xf32>
    %max3A = arith.constant 0.000000e+00 : f32
    %max3A_24 = vector.broadcast %max3A : f32 to vector<1000x15xf32>
    %max3A_25 = arith.maximumf %add3A_23, %max3A_24 : vector<1000x15xf32>
    %sqrt3A = math.sqrt %max3A_25 : vector<1000x15xf32>
    %mul3A_26 = arith.constant 2.500000e+01 : f32
    %mul3A_27 = vector.broadcast %mul3A_26 : f32 to vector<1000x15xf32>
    %mul3A_28 = arith.mulf %sqrt3A, %mul3A_27 : vector<1000x15xf32>
    %sub3A_29 = arith.constant 1.000000e+00 : f32
    %sub3A_30 = vector.broadcast %sub3A_29 : f32 to vector<1000x15xf32>
    %sub3A_31 = arith.subf %sub3A_30, %mul3A_28 : vector<1000x15xf32>
    %max3A_32 = arith.constant 0.000000e+00 : f32
    %max3A_33 = vector.broadcast %max3A_32 : f32 to vector<1000x15xf32>
    %max3A_34 = arith.maximumf %max3A_33, %sub3A_31 : vector<1000x15xf32>
    %get3A_35 = arith.constant 0 : index
    %get3A_36 = arith.constant 0 : index
    %get3A_37 = vector.load %arg5[%get3A_35, %get3A_36] : memref<15x480xf32, #tpu.memory_space<vmem>>, vector<15x480xf32>
    %dot_general3A_38 = arith.constant dense<0.000000e+00> : vector<1000x480xf32>
    %dot_general3A_39 = tpu.matmul %max3A_34, %get3A_37, %dot_general3A_38 {dimension_numbers = #tpu.dot_dimension_numbers<[1], [0], [0], [1], [0, 0, 1, 1], [], []>, transpose_lhs_hint = false} : vector<1000x15xf32>, vector<15x480xf32>, vector<1000x480xf32> -> vector<1000x480xf32>
    %concatenate3A = tpu.concatenate %slice3A, %slice3A, %slice3A, %slice3A, %slice3A, %slice3A, %slice3A, %slice3A, %slice3A, %slice3A, %slice3A, %slice3A, %slice3A, %slice3A, %slice3A in 1 : vector<1000x32xf32>, vector<1000x32xf32>, vector<1000x32xf32>, vector<1000x32xf32>, vector<1000x32xf32>, vector<1000x32xf32>, vector<1000x32xf32>, vector<1000x32xf32>, vector<1000x32xf32>, vector<1000x32xf32>, vector<1000x32xf32>, vector<1000x32xf32>, vector<1000x32xf32>, vector<1000x32xf32>, vector<1000x32xf32> -> vector<1000x480xf32>
    %mul3A_40 = arith.mulf %dot_general3A_39, %concatenate3A : vector<1000x480xf32>
    %add3A_41 = arith.addf %broadcast_in_dim3A_2, %mul3A_40 : vector<1000x480xf32>
    %get3A_42 = arith.constant 1 : index
    %get3A_43 = arith.constant 0 : index
    %get3A_44 = arith.constant 0 : index
    %get3A_45 = vector.load %arg1[%get3A_42, %get3A_43, %get3A_44] : memref<16x1000x128xf32, #tpu.memory_space<vmem>>, vector<1x1000x128xf32>
    %get3A_46 = vector.shape_cast %get3A_45 : vector<1x1000x128xf32> to vector<1000x128xf32>
    %slice3A_47 = vector.extract_strided_slice %get3A_46 {offsets = [0, 0], sizes = [1000, 32], strides = [1, 1]} : vector<1000x128xf32> to vector<1000x32xf32>
    %slice3A_48 = vector.extract_strided_slice %get3A_46 {offsets = [0, 32], sizes = [1000, 3], strides = [1, 1]} : vector<1000x128xf32> to vector<1000x3xf32>
    %sub3A_49 = arith.subf %slice3A_48, %get3A_1 : vector<1000x3xf32>
    %get3A_50 = arith.constant 0 : index
    %get3A_51 = arith.constant 0 : index
    %get3A_52 = vector.load %arg3[%get3A_50, %get3A_51] : memref<3x15xf32, #tpu.memory_space<vmem>>, vector<3x15xf32>
    %dot_general3A_53 = arith.constant dense<0.000000e+00> : vector<1000x15xf32>
    %dot_general3A_54 = tpu.matmul %sub3A_49, %get3A_52, %dot_general3A_53 {dimension_numbers = #tpu.dot_dimension_numbers<[1], [0], [0], [1], [0, 0, 1, 1], [], []>, transpose_lhs_hint = false} : vector<1000x3xf32>, vector<3x15xf32>, vector<1000x15xf32> -> vector<1000x15xf32>
    %mul3A_55 = arith.mulf %sub3A_49, %sub3A_49 : vector<1000x3xf32>
    %reduce_sum3A_56 = arith.constant dense<0.000000e+00> : vector<1000xf32>
    %reduce_sum3A_57 = vector.multi_reduction <add>, %mul3A_55, %reduce_sum3A_56 [1] : vector<1000x3xf32> to vector<1000xf32>
    %broadcast_in_dim3A_58 = vector.shape_cast %reduce_sum3A_57 : vector<1000xf32> to vector<1000x1xf32>
    %mul3A_59 = arith.constant 2.000000e+00 : f32
    %mul3A_60 = vector.broadcast %mul3A_59 : f32 to vector<1000x15xf32>
    %mul3A_61 = arith.mulf %mul3A_60, %dot_general3A_54 : vector<1000x15xf32>
    %sub3A_62 = vector.broadcast %broadcast_in_dim3A_58 : vector<1000x1xf32> to vector<1000x15xf32>
    %sub3A_63 = arith.subf %sub3A_62, %mul3A_61 : vector<1000x15xf32>
    %get3A_64 = arith.constant 0 : index
    %get3A_65 = arith.constant 0 : index
    %get3A_66 = vector.load %arg4[%get3A_64, %get3A_65] : memref<1x15xf32, #tpu.memory_space<vmem>>, vector<1x15xf32>
    %add3A_67 = vector.broadcast %get3A_66 : vector<1x15xf32> to vector<1000x15xf32>
    %add3A_68 = arith.addf %sub3A_63, %add3A_67 : vector<1000x15xf32>
    %max3A_69 = arith.constant 0.000000e+00 : f32
    %max3A_70 = vector.broadcast %max3A_69 : f32 to vector<1000x15xf32>
    %max3A_71 = arith.maximumf %add3A_68, %max3A_70 : vector<1000x15xf32>
    %sqrt3A_72 = math.sqrt %max3A_71 : vector<1000x15xf32>
    %mul3A_73 = arith.constant 2.500000e+01 : f32
    %mul3A_74 = vector.broadcast %mul3A_73 : f32 to vector<1000x15xf32>
    %mul3A_75 = arith.mulf %sqrt3A_72, %mul3A_74 : vector<1000x15xf32>
    %sub3A_76 = arith.constant 1.000000e+00 : f32
    %sub3A_77 = vector.broadcast %sub3A_76 : f32 to vector<1000x15xf32>
    %sub3A_78 = arith.subf %sub3A_77, %mul3A_75 : vector<1000x15xf32>
    %max3A_79 = arith.constant 0.000000e+00 : f32
    %max3A_80 = vector.broadcast %max3A_79 : f32 to vector<1000x15xf32>
    %max3A_81 = arith.maximumf %max3A_80, %sub3A_78 : vector<1000x15xf32>
    %get3A_82 = arith.constant 0 : index
    %get3A_83 = arith.constant 0 : index
    %get3A_84 = vector.load %arg5[%get3A_82, %get3A_83] : memref<15x480xf32, #tpu.memory_space<vmem>>, vector<15x480xf32>
    %dot_general3A_85 = arith.constant dense<0.000000e+00> : vector<1000x480xf32>
    %dot_general3A_86 = tpu.matmul %max3A_81, %get3A_84, %dot_general3A_85 {dimension_numbers = #tpu.dot_dimension_numbers<[1], [0], [0], [1], [0, 0, 1, 1], [], []>, transpose_lhs_hint = false} : vector<1000x15xf32>, vector<15x480xf32>, vector<1000x480xf32> -> vector<1000x480xf32>
    %concatenate3A_87 = tpu.concatenate %slice3A_47, %slice3A_47, %slice3A_47, %slice3A_47, %slice3A_47, %slice3A_47, %slice3A_47, %slice3A_47, %slice3A_47, %slice3A_47, %slice3A_47, %slice3A_47, %slice3A_47, %slice3A_47, %slice3A_47 in 1 : vector<1000x32xf32>, vector<1000x32xf32>, vector<1000x32xf32>, vector<1000x32xf32>, vector<1000x32xf32>, vector<1000x32xf32>, vector<1000x32xf32>, vector<1000x32xf32>, vector<1000x32xf32>, vector<1000x32xf32>, vector<1000x32xf32>, vector<1000x32xf32>, vector<1000x32xf32>, vector<1000x32xf32>, vector<1000x32xf32> -> vector<1000x480xf32>
    %mul3A_88 = arith.mulf %dot_general3A_86, %concatenate3A_87 : vector<1000x480xf32>
    %add3A_89 = arith.addf %add3A_41, %mul3A_88 : vector<1000x480xf32>
    %get3A_90 = arith.constant 2 : index
    %get3A_91 = arith.constant 0 : index
    %get3A_92 = arith.constant 0 : index
    %get3A_93 = vector.load %arg1[%get3A_90, %get3A_91, %get3A_92] : memref<16x1000x128xf32, #tpu.memory_space<vmem>>, vector<1x1000x128xf32>
    %get3A_94 = vector.shape_cast %get3A_93 : vector<1x1000x128xf32> to vector<1000x128xf32>
    %slice3A_95 = vector.extract_strided_slice %get3A_94 {offsets = [0, 0], sizes = [1000, 32], strides = [1, 1]} : vector<1000x128xf32> to vector<1000x32xf32>
    %slice3A_96 = vector.extract_strided_slice %get3A_94 {offsets = [0, 32], sizes = [1000, 3], strides = [1, 1]} : vector<1000x128xf32> to vector<1000x3xf32>
    %sub3A_97 = arith.subf %slice3A_96, %get3A_1 : vector<1000x3xf32>
    %get3A_98 = arith.constant 0 : index
    %get3A_99 = arith.constant 0 : index
    %get3A_100 = vector.load %arg3[%get3A_98, %get3A_99] : memref<3x15xf32, #tpu.memory_space<vmem>>, vector<3x15xf32>
    %dot_general3A_101 = arith.constant dense<0.000000e+00> : vector<1000x15xf32>
    %dot_general3A_102 = tpu.matmul %sub3A_97, %get3A_100, %dot_general3A_101 {dimension_numbers = #tpu.dot_dimension_numbers<[1], [0], [0], [1], [0, 0, 1, 1], [], []>, transpose_lhs_hint = false} : vector<1000x3xf32>, vector<3x15xf32>, vector<1000x15xf32> -> vector<1000x15xf32>
    %mul3A_103 = arith.mulf %sub3A_97, %sub3A_97 : vector<1000x3xf32>
    %reduce_sum3A_104 = arith.constant dense<0.000000e+00> : vector<1000xf32>
    %reduce_sum3A_105 = vector.multi_reduction <add>, %mul3A_103, %reduce_sum3A_104 [1] : vector<1000x3xf32> to vector<1000xf32>
    %broadcast_in_dim3A_106 = vector.shape_cast %reduce_sum3A_105 : vector<1000xf32> to vector<1000x1xf32>
    %mul3A_107 = arith.constant 2.000000e+00 : f32
    %mul3A_108 = vector.broadcast %mul3A_107 : f32 to vector<1000x15xf32>
    %mul3A_109 = arith.mulf %mul3A_108, %dot_general3A_102 : vector<1000x15xf32>
    %sub3A_110 = vector.broadcast %broadcast_in_dim3A_106 : vector<1000x1xf32> to vector<1000x15xf32>
    %sub3A_111 = arith.subf %sub3A_110, %mul3A_109 : vector<1000x15xf32>
    %get3A_112 = arith.constant 0 : index
    %get3A_113 = arith.constant 0 : index
    %get3A_114 = vector.load %arg4[%get3A_112, %get3A_113] : memref<1x15xf32, #tpu.memory_space<vmem>>, vector<1x15xf32>
    %add3A_115 = vector.broadcast %get3A_114 : vector<1x15xf32> to vector<1000x15xf32>
    %add3A_116 = arith.addf %sub3A_111, %add3A_115 : vector<1000x15xf32>
    %max3A_117 = arith.constant 0.000000e+00 : f32
    %max3A_118 = vector.broadcast %max3A_117 : f32 to vector<1000x15xf32>
    %max3A_119 = arith.maximumf %add3A_116, %max3A_118 : vector<1000x15xf32>
    %sqrt3A_120 = math.sqrt %max3A_119 : vector<1000x15xf32>
    %mul3A_121 = arith.constant 2.500000e+01 : f32
    %mul3A_122 = vector.broadcast %mul3A_121 : f32 to vector<1000x15xf32>
    %mul3A_123 = arith.mulf %sqrt3A_120, %mul3A_122 : vector<1000x15xf32>
    %sub3A_124 = arith.constant 1.000000e+00 : f32
    %sub3A_125 = vector.broadcast %sub3A_124 : f32 to vector<1000x15xf32>
    %sub3A_126 = arith.subf %sub3A_125, %mul3A_123 : vector<1000x15xf32>
    %max3A_127 = arith.constant 0.000000e+00 : f32
    %max3A_128 = vector.broadcast %max3A_127 : f32 to vector<1000x15xf32>
    %max3A_129 = arith.maximumf %max3A_128, %sub3A_126 : vector<1000x15xf32>
    %get3A_130 = arith.constant 0 : index
    %get3A_131 = arith.constant 0 : index
    %get3A_132 = vector.load %arg5[%get3A_130, %get3A_131] : memref<15x480xf32, #tpu.memory_space<vmem>>, vector<15x480xf32>
    %dot_general3A_133 = arith.constant dense<0.000000e+00> : vector<1000x480xf32>
    %dot_general3A_134 = tpu.matmul %max3A_129, %get3A_132, %dot_general3A_133 {dimension_numbers = #tpu.dot_dimension_numbers<[1], [0], [0], [1], [0, 0, 1, 1], [], []>, transpose_lhs_hint = false} : vector<1000x15xf32>, vector<15x480xf32>, vector<1000x480xf32> -> vector<1000x480xf32>
    %concatenate3A_135 = tpu.concatenate %slice3A_95, %slice3A_95, %slice3A_95, %slice3A_95, %slice3A_95, %slice3A_95, %slice3A_95, %slice3A_95, %slice3A_95, %slice3A_95, %slice3A_95, %slice3A_95, %slice3A_95, %slice3A_95, %slice3A_95 in 1 : vector<1000x32xf32>, vector<1000x32xf32>, vector<1000x32xf32>, vector<1000x32xf32>, vector<1000x32xf32>, vector<1000x32xf32>, vector<1000x32xf32>, vector<1000x32xf32>, vector<1000x32xf32>, vector<1000x32xf32>, vector<1000x32xf32>, vector<1000x32xf32>, vector<1000x32xf32>, vector<1000x32xf32>, vector<1000x32xf32> -> vector<1000x480xf32>
    %mul3A_136 = arith.mulf %dot_general3A_134, %concatenate3A_135 : vector<1000x480xf32>
    %add3A_137 = arith.addf %add3A_89, %mul3A_136 : vector<1000x480xf32>
    %get3A_138 = arith.constant 3 : index
    %get3A_139 = arith.constant 0 : index
    %get3A_140 = arith.constant 0 : index
    %get3A_141 = vector.load %arg1[%get3A_138, %get3A_139, %get3A_140] : memref<16x1000x128xf32, #tpu.memory_space<vmem>>, vector<1x1000x128xf32>
    %get3A_142 = vector.shape_cast %get3A_141 : vector<1x1000x128xf32> to vector<1000x128xf32>
    %slice3A_143 = vector.extract_strided_slice %get3A_142 {offsets = [0, 0], sizes = [1000, 32], strides = [1, 1]} : vector<1000x128xf32> to vector<1000x32xf32>
    %slice3A_144 = vector.extract_strided_slice %get3A_142 {offsets = [0, 32], sizes = [1000, 3], strides = [1, 1]} : vector<1000x128xf32> to vector<1000x3xf32>
    %sub3A_145 = arith.subf %slice3A_144, %get3A_1 : vector<1000x3xf32>
    %get3A_146 = arith.constant 0 : index
    %get3A_147 = arith.constant 0 : index
    %get3A_148 = vector.load %arg3[%get3A_146, %get3A_147] : memref<3x15xf32, #tpu.memory_space<vmem>>, vector<3x15xf32>
    %dot_general3A_149 = arith.constant dense<0.000000e+00> : vector<1000x15xf32>
    %dot_general3A_150 = tpu.matmul %sub3A_145, %get3A_148, %dot_general3A_149 {dimension_numbers = #tpu.dot_dimension_numbers<[1], [0], [0], [1], [0, 0, 1, 1], [], []>, transpose_lhs_hint = false} : vector<1000x3xf32>, vector<3x15xf32>, vector<1000x15xf32> -> vector<1000x15xf32>
    %mul3A_151 = arith.mulf %sub3A_145, %sub3A_145 : vector<1000x3xf32>
    %reduce_sum3A_152 = arith.constant dense<0.000000e+00> : vector<1000xf32>
    %reduce_sum3A_153 = vector.multi_reduction <add>, %mul3A_151, %reduce_sum3A_152 [1] : vector<1000x3xf32> to vector<1000xf32>
    %broadcast_in_dim3A_154 = vector.shape_cast %reduce_sum3A_153 : vector<1000xf32> to vector<1000x1xf32>
    %mul3A_155 = arith.constant 2.000000e+00 : f32
    %mul3A_156 = vector.broadcast %mul3A_155 : f32 to vector<1000x15xf32>
    %mul3A_157 = arith.mulf %mul3A_156, %dot_general3A_150 : vector<1000x15xf32>
    %sub3A_158 = vector.broadcast %broadcast_in_dim3A_154 : vector<1000x1xf32> to vector<1000x15xf32>
    %sub3A_159 = arith.subf %sub3A_158, %mul3A_157 : vector<1000x15xf32>
    %get3A_160 = arith.constant 0 : index
    %get3A_161 = arith.constant 0 : index
    %get3A_162 = vector.load %arg4[%get3A_160, %get3A_161] : memref<1x15xf32, #tpu.memory_space<vmem>>, vector<1x15xf32>
    %add3A_163 = vector.broadcast %get3A_162 : vector<1x15xf32> to vector<1000x15xf32>
    %add3A_164 = arith.addf %sub3A_159, %add3A_163 : vector<1000x15xf32>
    %max3A_165 = arith.constant 0.000000e+00 : f32
    %max3A_166 = vector.broadcast %max3A_165 : f32 to vector<1000x15xf32>
    %max3A_167 = arith.maximumf %add3A_164, %max3A_166 : vector<1000x15xf32>
    %sqrt3A_168 = math.sqrt %max3A_167 : vector<1000x15xf32>
    %mul3A_169 = arith.constant 2.500000e+01 : f32
    %mul3A_170 = vector.broadcast %mul3A_169 : f32 to vector<1000x15xf32>
    %mul3A_171 = arith.mulf %sqrt3A_168, %mul3A_170 : vector<1000x15xf32>
    %sub3A_172 = arith.constant 1.000000e+00 : f32
    %sub3A_173 = vector.broadcast %sub3A_172 : f32 to vector<1000x15xf32>
    %sub3A_174 = arith.subf %sub3A_173, %mul3A_171 : vector<1000x15xf32>
    %max3A_175 = arith.constant 0.000000e+00 : f32
    %max3A_176 = vector.broadcast %max3A_175 : f32 to vector<1000x15xf32>
    %max3A_177 = arith.maximumf %max3A_176, %sub3A_174 : vector<1000x15xf32>
    %get3A_178 = arith.constant 0 : index
    %get3A_179 = arith.constant 0 : index
    %get3A_180 = vector.load %arg5[%get3A_178, %get3A_179] : memref<15x480xf32, #tpu.memory_space<vmem>>, vector<15x480xf32>
    %dot_general3A_181 = arith.constant dense<0.000000e+00> : vector<1000x480xf32>
    %dot_general3A_182 = tpu.matmul %max3A_177, %get3A_180, %dot_general3A_181 {dimension_numbers = #tpu.dot_dimension_numbers<[1], [0], [0], [1], [0, 0, 1, 1], [], []>, transpose_lhs_hint = false} : vector<1000x15xf32>, vector<15x480xf32>, vector<1000x480xf32> -> vector<1000x480xf32>
    %concatenate3A_183 = tpu.concatenate %slice3A_143, %slice3A_143, %slice3A_143, %slice3A_143, %slice3A_143, %slice3A_143, %slice3A_143, %slice3A_143, %slice3A_143, %slice3A_143, %slice3A_143, %slice3A_143, %slice3A_143, %slice3A_143, %slice3A_143 in 1 : vector<1000x32xf32>, vector<1000x32xf32>, vector<1000x32xf32>, vector<1000x32xf32>, vector<1000x32xf32>, vector<1000x32xf32>, vector<1000x32xf32>, vector<1000x32xf32>, vector<1000x32xf32>, vector<1000x32xf32>, vector<1000x32xf32>, vector<1000x32xf32>, vector<1000x32xf32>, vector<1000x32xf32>, vector<1000x32xf32> -> vector<1000x480xf32>
    %mul3A_184 = arith.mulf %dot_general3A_182, %concatenate3A_183 : vector<1000x480xf32>
    %add3A_185 = arith.addf %add3A_137, %mul3A_184 : vector<1000x480xf32>
    %get3A_186 = arith.constant 4 : index
    %get3A_187 = arith.constant 0 : index
    %get3A_188 = arith.constant 0 : index
    %get3A_189 = vector.load %arg1[%get3A_186, %get3A_187, %get3A_188] : memref<16x1000x128xf32, #tpu.memory_space<vmem>>, vector<1x1000x128xf32>
    %get3A_190 = vector.shape_cast %get3A_189 : vector<1x1000x128xf32> to vector<1000x128xf32>
    %slice3A_191 = vector.extract_strided_slice %get3A_190 {offsets = [0, 0], sizes = [1000, 32], strides = [1, 1]} : vector<1000x128xf32> to vector<1000x32xf32>
    %slice3A_192 = vector.extract_strided_slice %get3A_190 {offsets = [0, 32], sizes = [1000, 3], strides = [1, 1]} : vector<1000x128xf32> to vector<1000x3xf32>
    %sub3A_193 = arith.subf %slice3A_192, %get3A_1 : vector<1000x3xf32>
    %get3A_194 = arith.constant 0 : index
    %get3A_195 = arith.constant 0 : index
    %get3A_196 = vector.load %arg3[%get3A_194, %get3A_195] : memref<3x15xf32, #tpu.memory_space<vmem>>, vector<3x15xf32>
    %dot_general3A_197 = arith.constant dense<0.000000e+00> : vector<1000x15xf32>
    %dot_general3A_198 = tpu.matmul %sub3A_193, %get3A_196, %dot_general3A_197 {dimension_numbers = #tpu.dot_dimension_numbers<[1], [0], [0], [1], [0, 0, 1, 1], [], []>, transpose_lhs_hint = false} : vector<1000x3xf32>, vector<3x15xf32>, vector<1000x15xf32> -> vector<1000x15xf32>
    %mul3A_199 = arith.mulf %sub3A_193, %sub3A_193 : vector<1000x3xf32>
    %reduce_sum3A_200 = arith.constant dense<0.000000e+00> : vector<1000xf32>
    %reduce_sum3A_201 = vector.multi_reduction <add>, %mul3A_199, %reduce_sum3A_200 [1] : vector<1000x3xf32> to vector<1000xf32>
    %broadcast_in_dim3A_202 = vector.shape_cast %reduce_sum3A_201 : vector<1000xf32> to vector<1000x1xf32>
    %mul3A_203 = arith.constant 2.000000e+00 : f32
    %mul3A_204 = vector.broadcast %mul3A_203 : f32 to vector<1000x15xf32>
    %mul3A_205 = arith.mulf %mul3A_204, %dot_general3A_198 : vector<1000x15xf32>
    %sub3A_206 = vector.broadcast %broadcast_in_dim3A_202 : vector<1000x1xf32> to vector<1000x15xf32>
    %sub3A_207 = arith.subf %sub3A_206, %mul3A_205 : vector<1000x15xf32>
    %get3A_208 = arith.constant 0 : index
    %get3A_209 = arith.constant 0 : index
    %get3A_210 = vector.load %arg4[%get3A_208, %get3A_209] : memref<1x15xf32, #tpu.memory_space<vmem>>, vector<1x15xf32>
    %add3A_211 = vector.broadcast %get3A_210 : vector<1x15xf32> to vector<1000x15xf32>
    %add3A_212 = arith.addf %sub3A_207, %add3A_211 : vector<1000x15xf32>
    %max3A_213 = arith.constant 0.000000e+00 : f32
    %max3A_214 = vector.broadcast %max3A_213 : f32 to vector<1000x15xf32>
    %max3A_215 = arith.maximumf %add3A_212, %max3A_214 : vector<1000x15xf32>
    %sqrt3A_216 = math.sqrt %max3A_215 : vector<1000x15xf32>
    %mul3A_217 = arith.constant 2.500000e+01 : f32
    %mul3A_218 = vector.broadcast %mul3A_217 : f32 to vector<1000x15xf32>
    %mul3A_219 = arith.mulf %sqrt3A_216, %mul3A_218 : vector<1000x15xf32>
    %sub3A_220 = arith.constant 1.000000e+00 : f32
    %sub3A_221 = vector.broadcast %sub3A_220 : f32 to vector<1000x15xf32>
    %sub3A_222 = arith.subf %sub3A_221, %mul3A_219 : vector<1000x15xf32>
    %max3A_223 = arith.constant 0.000000e+00 : f32
    %max3A_224 = vector.broadcast %max3A_223 : f32 to vector<1000x15xf32>
    %max3A_225 = arith.maximumf %max3A_224, %sub3A_222 : vector<1000x15xf32>
    %get3A_226 = arith.constant 0 : index
    %get3A_227 = arith.constant 0 : index
    %get3A_228 = vector.load %arg5[%get3A_226, %get3A_227] : memref<15x480xf32, #tpu.memory_space<vmem>>, vector<15x480xf32>
    %dot_general3A_229 = arith.constant dense<0.000000e+00> : vector<1000x480xf32>
    %dot_general3A_230 = tpu.matmul %max3A_225, %get3A_228, %dot_general3A_229 {dimension_numbers = #tpu.dot_dimension_numbers<[1], [0], [0], [1], [0, 0, 1, 1], [], []>, transpose_lhs_hint = false} : vector<1000x15xf32>, vector<15x480xf32>, vector<1000x480xf32> -> vector<1000x480xf32>
    %concatenate3A_231 = tpu.concatenate %slice3A_191, %slice3A_191, %slice3A_191, %slice3A_191, %slice3A_191, %slice3A_191, %slice3A_191, %slice3A_191, %slice3A_191, %slice3A_191, %slice3A_191, %slice3A_191, %slice3A_191, %slice3A_191, %slice3A_191 in 1 : vector<1000x32xf32>, vector<1000x32xf32>, vector<1000x32xf32>, vector<1000x32xf32>, vector<1000x32xf32>, vector<1000x32xf32>, vector<1000x32xf32>, vector<1000x32xf32>, vector<1000x32xf32>, vector<1000x32xf32>, vector<1000x32xf32>, vector<1000x32xf32>, vector<1000x32xf32>, vector<1000x32xf32>, vector<1000x32xf32> -> vector<1000x480xf32>
    %mul3A_232 = arith.mulf %dot_general3A_230, %concatenate3A_231 : vector<1000x480xf32>
    %add3A_233 = arith.addf %add3A_185, %mul3A_232 : vector<1000x480xf32>
    %get3A_234 = arith.constant 5 : index
    %get3A_235 = arith.constant 0 : index
    %get3A_236 = arith.constant 0 : index
    %get3A_237 = vector.load %arg1[%get3A_234, %get3A_235, %get3A_236] : memref<16x1000x128xf32, #tpu.memory_space<vmem>>, vector<1x1000x128xf32>
    %get3A_238 = vector.shape_cast %get3A_237 : vector<1x1000x128xf32> to vector<1000x128xf32>
    %slice3A_239 = vector.extract_strided_slice %get3A_238 {offsets = [0, 0], sizes = [1000, 32], strides = [1, 1]} : vector<1000x128xf32> to vector<1000x32xf32>
    %slice3A_240 = vector.extract_strided_slice %get3A_238 {offsets = [0, 32], sizes = [1000, 3], strides = [1, 1]} : vector<1000x128xf32> to vector<1000x3xf32>
    %sub3A_241 = arith.subf %slice3A_240, %get3A_1 : vector<1000x3xf32>
    %get3A_242 = arith.constant 0 : index
    %get3A_243 = arith.constant 0 : index
    %get3A_244 = vector.load %arg3[%get3A_242, %get3A_243] : memref<3x15xf32, #tpu.memory_space<vmem>>, vector<3x15xf32>
    %dot_general3A_245 = arith.constant dense<0.000000e+00> : vector<1000x15xf32>
    %dot_general3A_246 = tpu.matmul %sub3A_241, %get3A_244, %dot_general3A_245 {dimension_numbers = #tpu.dot_dimension_numbers<[1], [0], [0], [1], [0, 0, 1, 1], [], []>, transpose_lhs_hint = false} : vector<1000x3xf32>, vector<3x15xf32>, vector<1000x15xf32> -> vector<1000x15xf32>
    %mul3A_247 = arith.mulf %sub3A_241, %sub3A_241 : vector<1000x3xf32>
    %reduce_sum3A_248 = arith.constant dense<0.000000e+00> : vector<1000xf32>
    %reduce_sum3A_249 = vector.multi_reduction <add>, %mul3A_247, %reduce_sum3A_248 [1] : vector<1000x3xf32> to vector<1000xf32>
    %broadcast_in_dim3A_250 = vector.shape_cast %reduce_sum3A_249 : vector<1000xf32> to vector<1000x1xf32>
    %mul3A_251 = arith.constant 2.000000e+00 : f32
    %mul3A_252 = vector.broadcast %mul3A_251 : f32 to vector<1000x15xf32>
    %mul3A_253 = arith.mulf %mul3A_252, %dot_general3A_246 : vector<1000x15xf32>
    %sub3A_254 = vector.broadcast %broadcast_in_dim3A_250 : vector<1000x1xf32> to vector<1000x15xf32>
    %sub3A_255 = arith.subf %sub3A_254, %mul3A_253 : vector<1000x15xf32>
    %get3A_256 = arith.constant 0 : index
    %get3A_257 = arith.constant 0 : index
    %get3A_258 = vector.load %arg4[%get3A_256, %get3A_257] : memref<1x15xf32, #tpu.memory_space<vmem>>, vector<1x15xf32>
    %add3A_259 = vector.broadcast %get3A_258 : vector<1x15xf32> to vector<1000x15xf32>
    %add3A_260 = arith.addf %sub3A_255, %add3A_259 : vector<1000x15xf32>
    %max3A_261 = arith.constant 0.000000e+00 : f32
    %max3A_262 = vector.broadcast %max3A_261 : f32 to vector<1000x15xf32>
    %max3A_263 = arith.maximumf %add3A_260, %max3A_262 : vector<1000x15xf32>
    %sqrt3A_264 = math.sqrt %max3A_263 : vector<1000x15xf32>
    %mul3A_265 = arith.constant 2.500000e+01 : f32
    %mul3A_266 = vector.broadcast %mul3A_265 : f32 to vector<1000x15xf32>
    %mul3A_267 = arith.mulf %sqrt3A_264, %mul3A_266 : vector<1000x15xf32>
    %sub3A_268 = arith.constant 1.000000e+00 : f32
    %sub3A_269 = vector.broadcast %sub3A_268 : f32 to vector<1000x15xf32>
    %sub3A_270 = arith.subf %sub3A_269, %mul3A_267 : vector<1000x15xf32>
    %max3A_271 = arith.constant 0.000000e+00 : f32
    %max3A_272 = vector.broadcast %max3A_271 : f32 to vector<1000x15xf32>
    %max3A_273 = arith.maximumf %max3A_272, %sub3A_270 : vector<1000x15xf32>
    %get3A_274 = arith.constant 0 : index
    %get3A_275 = arith.constant 0 : index
    %get3A_276 = vector.load %arg5[%get3A_274, %get3A_275] : memref<15x480xf32, #tpu.memory_space<vmem>>, vector<15x480xf32>
    %dot_general3A_277 = arith.constant dense<0.000000e+00> : vector<1000x480xf32>
    %dot_general3A_278 = tpu.matmul %max3A_273, %get3A_276, %dot_general3A_277 {dimension_numbers = #tpu.dot_dimension_numbers<[1], [0], [0], [1], [0, 0, 1, 1], [], []>, transpose_lhs_hint = false} : vector<1000x15xf32>, vector<15x480xf32>, vector<1000x480xf32> -> vector<1000x480xf32>
    %concatenate3A_279 = tpu.concatenate %slice3A_239, %slice3A_239, %slice3A_239, %slice3A_239, %slice3A_239, %slice3A_239, %slice3A_239, %slice3A_239, %slice3A_239, %slice3A_239, %slice3A_239, %slice3A_239, %slice3A_239, %slice3A_239, %slice3A_239 in 1 : vector<1000x32xf32>, vector<1000x32xf32>, vector<1000x32xf32>, vector<1000x32xf32>, vector<1000x32xf32>, vector<1000x32xf32>, vector<1000x32xf32>, vector<1000x32xf32>, vector<1000x32xf32>, vector<1000x32xf32>, vector<1000x32xf32>, vector<1000x32xf32>, vector<1000x32xf32>, vector<1000x32xf32>, vector<1000x32xf32> -> vector<1000x480xf32>
    %mul3A_280 = arith.mulf %dot_general3A_278, %concatenate3A_279 : vector<1000x480xf32>
    %add3A_281 = arith.addf %add3A_233, %mul3A_280 : vector<1000x480xf32>
    %get3A_282 = arith.constant 6 : index
    %get3A_283 = arith.constant 0 : index
    %get3A_284 = arith.constant 0 : index
    %get3A_285 = vector.load %arg1[%get3A_282, %get3A_283, %get3A_284] : memref<16x1000x128xf32, #tpu.memory_space<vmem>>, vector<1x1000x128xf32>
    %get3A_286 = vector.shape_cast %get3A_285 : vector<1x1000x128xf32> to vector<1000x128xf32>
    %slice3A_287 = vector.extract_strided_slice %get3A_286 {offsets = [0, 0], sizes = [1000, 32], strides = [1, 1]} : vector<1000x128xf32> to vector<1000x32xf32>
    %slice3A_288 = vector.extract_strided_slice %get3A_286 {offsets = [0, 32], sizes = [1000, 3], strides = [1, 1]} : vector<1000x128xf32> to vector<1000x3xf32>
    %sub3A_289 = arith.subf %slice3A_288, %get3A_1 : vector<1000x3xf32>
    %get3A_290 = arith.constant 0 : index
    %get3A_291 = arith.constant 0 : index
    %get3A_292 = vector.load %arg3[%get3A_290, %get3A_291] : memref<3x15xf32, #tpu.memory_space<vmem>>, vector<3x15xf32>
    %dot_general3A_293 = arith.constant dense<0.000000e+00> : vector<1000x15xf32>
    %dot_general3A_294 = tpu.matmul %sub3A_289, %get3A_292, %dot_general3A_293 {dimension_numbers = #tpu.dot_dimension_numbers<[1], [0], [0], [1], [0, 0, 1, 1], [], []>, transpose_lhs_hint = false} : vector<1000x3xf32>, vector<3x15xf32>, vector<1000x15xf32> -> vector<1000x15xf32>
    %mul3A_295 = arith.mulf %sub3A_289, %sub3A_289 : vector<1000x3xf32>
    %reduce_sum3A_296 = arith.constant dense<0.000000e+00> : vector<1000xf32>
    %reduce_sum3A_297 = vector.multi_reduction <add>, %mul3A_295, %reduce_sum3A_296 [1] : vector<1000x3xf32> to vector<1000xf32>
    %broadcast_in_dim3A_298 = vector.shape_cast %reduce_sum3A_297 : vector<1000xf32> to vector<1000x1xf32>
    %mul3A_299 = arith.constant 2.000000e+00 : f32
    %mul3A_300 = vector.broadcast %mul3A_299 : f32 to vector<1000x15xf32>
    %mul3A_301 = arith.mulf %mul3A_300, %dot_general3A_294 : vector<1000x15xf32>
    %sub3A_302 = vector.broadcast %broadcast_in_dim3A_298 : vector<1000x1xf32> to vector<1000x15xf32>
    %sub3A_303 = arith.subf %sub3A_302, %mul3A_301 : vector<1000x15xf32>
    %get3A_304 = arith.constant 0 : index
    %get3A_305 = arith.constant 0 : index
    %get3A_306 = vector.load %arg4[%get3A_304, %get3A_305] : memref<1x15xf32, #tpu.memory_space<vmem>>, vector<1x15xf32>
    %add3A_307 = vector.broadcast %get3A_306 : vector<1x15xf32> to vector<1000x15xf32>
    %add3A_308 = arith.addf %sub3A_303, %add3A_307 : vector<1000x15xf32>
    %max3A_309 = arith.constant 0.000000e+00 : f32
    %max3A_310 = vector.broadcast %max3A_309 : f32 to vector<1000x15xf32>
    %max3A_311 = arith.maximumf %add3A_308, %max3A_310 : vector<1000x15xf32>
    %sqrt3A_312 = math.sqrt %max3A_311 : vector<1000x15xf32>
    %mul3A_313 = arith.constant 2.500000e+01 : f32
    %mul3A_314 = vector.broadcast %mul3A_313 : f32 to vector<1000x15xf32>
    %mul3A_315 = arith.mulf %sqrt3A_312, %mul3A_314 : vector<1000x15xf32>
    %sub3A_316 = arith.constant 1.000000e+00 : f32
    %sub3A_317 = vector.broadcast %sub3A_316 : f32 to vector<1000x15xf32>
    %sub3A_318 = arith.subf %sub3A_317, %mul3A_315 : vector<1000x15xf32>
    %max3A_319 = arith.constant 0.000000e+00 : f32
    %max3A_320 = vector.broadcast %max3A_319 : f32 to vector<1000x15xf32>
    %max3A_321 = arith.maximumf %max3A_320, %sub3A_318 : vector<1000x15xf32>
    %get3A_322 = arith.constant 0 : index
    %get3A_323 = arith.constant 0 : index
    %get3A_324 = vector.load %arg5[%get3A_322, %get3A_323] : memref<15x480xf32, #tpu.memory_space<vmem>>, vector<15x480xf32>
    %dot_general3A_325 = arith.constant dense<0.000000e+00> : vector<1000x480xf32>
    %dot_general3A_326 = tpu.matmul %max3A_321, %get3A_324, %dot_general3A_325 {dimension_numbers = #tpu.dot_dimension_numbers<[1], [0], [0], [1], [0, 0, 1, 1], [], []>, transpose_lhs_hint = false} : vector<1000x15xf32>, vector<15x480xf32>, vector<1000x480xf32> -> vector<1000x480xf32>
    %concatenate3A_327 = tpu.concatenate %slice3A_287, %slice3A_287, %slice3A_287, %slice3A_287, %slice3A_287, %slice3A_287, %slice3A_287, %slice3A_287, %slice3A_287, %slice3A_287, %slice3A_287, %slice3A_287, %slice3A_287, %slice3A_287, %slice3A_287 in 1 : vector<1000x32xf32>, vector<1000x32xf32>, vector<1000x32xf32>, vector<1000x32xf32>, vector<1000x32xf32>, vector<1000x32xf32>, vector<1000x32xf32>, vector<1000x32xf32>, vector<1000x32xf32>, vector<1000x32xf32>, vector<1000x32xf32>, vector<1000x32xf32>, vector<1000x32xf32>, vector<1000x32xf32>, vector<1000x32xf32> -> vector<1000x480xf32>
    %mul3A_328 = arith.mulf %dot_general3A_326, %concatenate3A_327 : vector<1000x480xf32>
    %add3A_329 = arith.addf %add3A_281, %mul3A_328 : vector<1000x480xf32>
    %get3A_330 = arith.constant 7 : index
    %get3A_331 = arith.constant 0 : index
    %get3A_332 = arith.constant 0 : index
    %get3A_333 = vector.load %arg1[%get3A_330, %get3A_331, %get3A_332] : memref<16x1000x128xf32, #tpu.memory_space<vmem>>, vector<1x1000x128xf32>
    %get3A_334 = vector.shape_cast %get3A_333 : vector<1x1000x128xf32> to vector<1000x128xf32>
    %slice3A_335 = vector.extract_strided_slice %get3A_334 {offsets = [0, 0], sizes = [1000, 32], strides = [1, 1]} : vector<1000x128xf32> to vector<1000x32xf32>
    %slice3A_336 = vector.extract_strided_slice %get3A_334 {offsets = [0, 32], sizes = [1000, 3], strides = [1, 1]} : vector<1000x128xf32> to vector<1000x3xf32>
    %sub3A_337 = arith.subf %slice3A_336, %get3A_1 : vector<1000x3xf32>
    %get3A_338 = arith.constant 0 : index
    %get3A_339 = arith.constant 0 : index
    %get3A_340 = vector.load %arg3[%get3A_338, %get3A_339] : memref<3x15xf32, #tpu.memory_space<vmem>>, vector<3x15xf32>
    %dot_general3A_341 = arith.constant dense<0.000000e+00> : vector<1000x15xf32>
    %dot_general3A_342 = tpu.matmul %sub3A_337, %get3A_340, %dot_general3A_341 {dimension_numbers = #tpu.dot_dimension_numbers<[1], [0], [0], [1], [0, 0, 1, 1], [], []>, transpose_lhs_hint = false} : vector<1000x3xf32>, vector<3x15xf32>, vector<1000x15xf32> -> vector<1000x15xf32>
    %mul3A_343 = arith.mulf %sub3A_337, %sub3A_337 : vector<1000x3xf32>
    %reduce_sum3A_344 = arith.constant dense<0.000000e+00> : vector<1000xf32>
    %reduce_sum3A_345 = vector.multi_reduction <add>, %mul3A_343, %reduce_sum3A_344 [1] : vector<1000x3xf32> to vector<1000xf32>
    %broadcast_in_dim3A_346 = vector.shape_cast %reduce_sum3A_345 : vector<1000xf32> to vector<1000x1xf32>
    %mul3A_347 = arith.constant 2.000000e+00 : f32
    %mul3A_348 = vector.broadcast %mul3A_347 : f32 to vector<1000x15xf32>
    %mul3A_349 = arith.mulf %mul3A_348, %dot_general3A_342 : vector<1000x15xf32>
    %sub3A_350 = vector.broadcast %broadcast_in_dim3A_346 : vector<1000x1xf32> to vector<1000x15xf32>
    %sub3A_351 = arith.subf %sub3A_350, %mul3A_349 : vector<1000x15xf32>
    %get3A_352 = arith.constant 0 : index
    %get3A_353 = arith.constant 0 : index
    %get3A_354 = vector.load %arg4[%get3A_352, %get3A_353] : memref<1x15xf32, #tpu.memory_space<vmem>>, vector<1x15xf32>
    %add3A_355 = vector.broadcast %get3A_354 : vector<1x15xf32> to vector<1000x15xf32>
    %add3A_356 = arith.addf %sub3A_351, %add3A_355 : vector<1000x15xf32>
    %max3A_357 = arith.constant 0.000000e+00 : f32
    %max3A_358 = vector.broadcast %max3A_357 : f32 to vector<1000x15xf32>
    %max3A_359 = arith.maximumf %add3A_356, %max3A_358 : vector<1000x15xf32>
    %sqrt3A_360 = math.sqrt %max3A_359 : vector<1000x15xf32>
    %mul3A_361 = arith.constant 2.500000e+01 : f32
    %mul3A_362 = vector.broadcast %mul3A_361 : f32 to vector<1000x15xf32>
    %mul3A_363 = arith.mulf %sqrt3A_360, %mul3A_362 : vector<1000x15xf32>
    %sub3A_364 = arith.constant 1.000000e+00 : f32
    %sub3A_365 = vector.broadcast %sub3A_364 : f32 to vector<1000x15xf32>
    %sub3A_366 = arith.subf %sub3A_365, %mul3A_363 : vector<1000x15xf32>
    %max3A_367 = arith.constant 0.000000e+00 : f32
    %max3A_368 = vector.broadcast %max3A_367 : f32 to vector<1000x15xf32>
    %max3A_369 = arith.maximumf %max3A_368, %sub3A_366 : vector<1000x15xf32>
    %get3A_370 = arith.constant 0 : index
    %get3A_371 = arith.constant 0 : index
    %get3A_372 = vector.load %arg5[%get3A_370, %get3A_371] : memref<15x480xf32, #tpu.memory_space<vmem>>, vector<15x480xf32>
    %dot_general3A_373 = arith.constant dense<0.000000e+00> : vector<1000x480xf32>
    %dot_general3A_374 = tpu.matmul %max3A_369, %get3A_372, %dot_general3A_373 {dimension_numbers = #tpu.dot_dimension_numbers<[1], [0], [0], [1], [0, 0, 1, 1], [], []>, transpose_lhs_hint = false} : vector<1000x15xf32>, vector<15x480xf32>, vector<1000x480xf32> -> vector<1000x480xf32>
    %concatenate3A_375 = tpu.concatenate %slice3A_335, %slice3A_335, %slice3A_335, %slice3A_335, %slice3A_335, %slice3A_335, %slice3A_335, %slice3A_335, %slice3A_335, %slice3A_335, %slice3A_335, %slice3A_335, %slice3A_335, %slice3A_335, %slice3A_335 in 1 : vector<1000x32xf32>, vector<1000x32xf32>, vector<1000x32xf32>, vector<1000x32xf32>, vector<1000x32xf32>, vector<1000x32xf32>, vector<1000x32xf32>, vector<1000x32xf32>, vector<1000x32xf32>, vector<1000x32xf32>, vector<1000x32xf32>, vector<1000x32xf32>, vector<1000x32xf32>, vector<1000x32xf32>, vector<1000x32xf32> -> vector<1000x480xf32>
    %mul3A_376 = arith.mulf %dot_general3A_374, %concatenate3A_375 : vector<1000x480xf32>
    %add3A_377 = arith.addf %add3A_329, %mul3A_376 : vector<1000x480xf32>
    %get3A_378 = arith.constant 8 : index
    %get3A_379 = arith.constant 0 : index
    %get3A_380 = arith.constant 0 : index
    %get3A_381 = vector.load %arg1[%get3A_378, %get3A_379, %get3A_380] : memref<16x1000x128xf32, #tpu.memory_space<vmem>>, vector<1x1000x128xf32>
    %get3A_382 = vector.shape_cast %get3A_381 : vector<1x1000x128xf32> to vector<1000x128xf32>
    %slice3A_383 = vector.extract_strided_slice %get3A_382 {offsets = [0, 0], sizes = [1000, 32], strides = [1, 1]} : vector<1000x128xf32> to vector<1000x32xf32>
    %slice3A_384 = vector.extract_strided_slice %get3A_382 {offsets = [0, 32], sizes = [1000, 3], strides = [1, 1]} : vector<1000x128xf32> to vector<1000x3xf32>
    %sub3A_385 = arith.subf %slice3A_384, %get3A_1 : vector<1000x3xf32>
    %get3A_386 = arith.constant 0 : index
    %get3A_387 = arith.constant 0 : index
    %get3A_388 = vector.load %arg3[%get3A_386, %get3A_387] : memref<3x15xf32, #tpu.memory_space<vmem>>, vector<3x15xf32>
    %dot_general3A_389 = arith.constant dense<0.000000e+00> : vector<1000x15xf32>
    %dot_general3A_390 = tpu.matmul %sub3A_385, %get3A_388, %dot_general3A_389 {dimension_numbers = #tpu.dot_dimension_numbers<[1], [0], [0], [1], [0, 0, 1, 1], [], []>, transpose_lhs_hint = false} : vector<1000x3xf32>, vector<3x15xf32>, vector<1000x15xf32> -> vector<1000x15xf32>
    %mul3A_391 = arith.mulf %sub3A_385, %sub3A_385 : vector<1000x3xf32>
    %reduce_sum3A_392 = arith.constant dense<0.000000e+00> : vector<1000xf32>
    %reduce_sum3A_393 = vector.multi_reduction <add>, %mul3A_391, %reduce_sum3A_392 [1] : vector<1000x3xf32> to vector<1000xf32>
    %broadcast_in_dim3A_394 = vector.shape_cast %reduce_sum3A_393 : vector<1000xf32> to vector<1000x1xf32>
    %mul3A_395 = arith.constant 2.000000e+00 : f32
    %mul3A_396 = vector.broadcast %mul3A_395 : f32 to vector<1000x15xf32>
    %mul3A_397 = arith.mulf %mul3A_396, %dot_general3A_390 : vector<1000x15xf32>
    %sub3A_398 = vector.broadcast %broadcast_in_dim3A_394 : vector<1000x1xf32> to vector<1000x15xf32>
    %sub3A_399 = arith.subf %sub3A_398, %mul3A_397 : vector<1000x15xf32>
    %get3A_400 = arith.constant 0 : index
    %get3A_401 = arith.constant 0 : index
    %get3A_402 = vector.load %arg4[%get3A_400, %get3A_401] : memref<1x15xf32, #tpu.memory_space<vmem>>, vector<1x15xf32>
    %add3A_403 = vector.broadcast %get3A_402 : vector<1x15xf32> to vector<1000x15xf32>
    %add3A_404 = arith.addf %sub3A_399, %add3A_403 : vector<1000x15xf32>
    %max3A_405 = arith.constant 0.000000e+00 : f32
    %max3A_406 = vector.broadcast %max3A_405 : f32 to vector<1000x15xf32>
    %max3A_407 = arith.maximumf %add3A_404, %max3A_406 : vector<1000x15xf32>
    %sqrt3A_408 = math.sqrt %max3A_407 : vector<1000x15xf32>
    %mul3A_409 = arith.constant 2.500000e+01 : f32
    %mul3A_410 = vector.broadcast %mul3A_409 : f32 to vector<1000x15xf32>
    %mul3A_411 = arith.mulf %sqrt3A_408, %mul3A_410 : vector<1000x15xf32>
    %sub3A_412 = arith.constant 1.000000e+00 : f32
    %sub3A_413 = vector.broadcast %sub3A_412 : f32 to vector<1000x15xf32>
    %sub3A_414 = arith.subf %sub3A_413, %mul3A_411 : vector<1000x15xf32>
    %max3A_415 = arith.constant 0.000000e+00 : f32
    %max3A_416 = vector.broadcast %max3A_415 : f32 to vector<1000x15xf32>
    %max3A_417 = arith.maximumf %max3A_416, %sub3A_414 : vector<1000x15xf32>
    %get3A_418 = arith.constant 0 : index
    %get3A_419 = arith.constant 0 : index
    %get3A_420 = vector.load %arg5[%get3A_418, %get3A_419] : memref<15x480xf32, #tpu.memory_space<vmem>>, vector<15x480xf32>
    %dot_general3A_421 = arith.constant dense<0.000000e+00> : vector<1000x480xf32>
    %dot_general3A_422 = tpu.matmul %max3A_417, %get3A_420, %dot_general3A_421 {dimension_numbers = #tpu.dot_dimension_numbers<[1], [0], [0], [1], [0, 0, 1, 1], [], []>, transpose_lhs_hint = false} : vector<1000x15xf32>, vector<15x480xf32>, vector<1000x480xf32> -> vector<1000x480xf32>
    %concatenate3A_423 = tpu.concatenate %slice3A_383, %slice3A_383, %slice3A_383, %slice3A_383, %slice3A_383, %slice3A_383, %slice3A_383, %slice3A_383, %slice3A_383, %slice3A_383, %slice3A_383, %slice3A_383, %slice3A_383, %slice3A_383, %slice3A_383 in 1 : vector<1000x32xf32>, vector<1000x32xf32>, vector<1000x32xf32>, vector<1000x32xf32>, vector<1000x32xf32>, vector<1000x32xf32>, vector<1000x32xf32>, vector<1000x32xf32>, vector<1000x32xf32>, vector<1000x32xf32>, vector<1000x32xf32>, vector<1000x32xf32>, vector<1000x32xf32>, vector<1000x32xf32>, vector<1000x32xf32> -> vector<1000x480xf32>
    %mul3A_424 = arith.mulf %dot_general3A_422, %concatenate3A_423 : vector<1000x480xf32>
    %add3A_425 = arith.addf %add3A_377, %mul3A_424 : vector<1000x480xf32>
    %get3A_426 = arith.constant 9 : index
    %get3A_427 = arith.constant 0 : index
    %get3A_428 = arith.constant 0 : index
    %get3A_429 = vector.load %arg1[%get3A_426, %get3A_427, %get3A_428] : memref<16x1000x128xf32, #tpu.memory_space<vmem>>, vector<1x1000x128xf32>
    %get3A_430 = vector.shape_cast %get3A_429 : vector<1x1000x128xf32> to vector<1000x128xf32>
    %slice3A_431 = vector.extract_strided_slice %get3A_430 {offsets = [0, 0], sizes = [1000, 32], strides = [1, 1]} : vector<1000x128xf32> to vector<1000x32xf32>
    %slice3A_432 = vector.extract_strided_slice %get3A_430 {offsets = [0, 32], sizes = [1000, 3], strides = [1, 1]} : vector<1000x128xf32> to vector<1000x3xf32>
    %sub3A_433 = arith.subf %slice3A_432, %get3A_1 : vector<1000x3xf32>
    %get3A_434 = arith.constant 0 : index
    %get3A_435 = arith.constant 0 : index
    %get3A_436 = vector.load %arg3[%get3A_434, %get3A_435] : memref<3x15xf32, #tpu.memory_space<vmem>>, vector<3x15xf32>
    %dot_general3A_437 = arith.constant dense<0.000000e+00> : vector<1000x15xf32>
    %dot_general3A_438 = tpu.matmul %sub3A_433, %get3A_436, %dot_general3A_437 {dimension_numbers = #tpu.dot_dimension_numbers<[1], [0], [0], [1], [0, 0, 1, 1], [], []>, transpose_lhs_hint = false} : vector<1000x3xf32>, vector<3x15xf32>, vector<1000x15xf32> -> vector<1000x15xf32>
    %mul3A_439 = arith.mulf %sub3A_433, %sub3A_433 : vector<1000x3xf32>
    %reduce_sum3A_440 = arith.constant dense<0.000000e+00> : vector<1000xf32>
    %reduce_sum3A_441 = vector.multi_reduction <add>, %mul3A_439, %reduce_sum3A_440 [1] : vector<1000x3xf32> to vector<1000xf32>
    %broadcast_in_dim3A_442 = vector.shape_cast %reduce_sum3A_441 : vector<1000xf32> to vector<1000x1xf32>
    %mul3A_443 = arith.constant 2.000000e+00 : f32
    %mul3A_444 = vector.broadcast %mul3A_443 : f32 to vector<1000x15xf32>
    %mul3A_445 = arith.mulf %mul3A_444, %dot_general3A_438 : vector<1000x15xf32>
    %sub3A_446 = vector.broadcast %broadcast_in_dim3A_442 : vector<1000x1xf32> to vector<1000x15xf32>
    %sub3A_447 = arith.subf %sub3A_446, %mul3A_445 : vector<1000x15xf32>
    %get3A_448 = arith.constant 0 : index
    %get3A_449 = arith.constant 0 : index
    %get3A_450 = vector.load %arg4[%get3A_448, %get3A_449] : memref<1x15xf32, #tpu.memory_space<vmem>>, vector<1x15xf32>
    %add3A_451 = vector.broadcast %get3A_450 : vector<1x15xf32> to vector<1000x15xf32>
    %add3A_452 = arith.addf %sub3A_447, %add3A_451 : vector<1000x15xf32>
    %max3A_453 = arith.constant 0.000000e+00 : f32
    %max3A_454 = vector.broadcast %max3A_453 : f32 to vector<1000x15xf32>
    %max3A_455 = arith.maximumf %add3A_452, %max3A_454 : vector<1000x15xf32>
    %sqrt3A_456 = math.sqrt %max3A_455 : vector<1000x15xf32>
    %mul3A_457 = arith.constant 2.500000e+01 : f32
    %mul3A_458 = vector.broadcast %mul3A_457 : f32 to vector<1000x15xf32>
    %mul3A_459 = arith.mulf %sqrt3A_456, %mul3A_458 : vector<1000x15xf32>
    %sub3A_460 = arith.constant 1.000000e+00 : f32
    %sub3A_461 = vector.broadcast %sub3A_460 : f32 to vector<1000x15xf32>
    %sub3A_462 = arith.subf %sub3A_461, %mul3A_459 : vector<1000x15xf32>
    %max3A_463 = arith.constant 0.000000e+00 : f32
    %max3A_464 = vector.broadcast %max3A_463 : f32 to vector<1000x15xf32>
    %max3A_465 = arith.maximumf %max3A_464, %sub3A_462 : vector<1000x15xf32>
    %get3A_466 = arith.constant 0 : index
    %get3A_467 = arith.constant 0 : index
    %get3A_468 = vector.load %arg5[%get3A_466, %get3A_467] : memref<15x480xf32, #tpu.memory_space<vmem>>, vector<15x480xf32>
    %dot_general3A_469 = arith.constant dense<0.000000e+00> : vector<1000x480xf32>
    %dot_general3A_470 = tpu.matmul %max3A_465, %get3A_468, %dot_general3A_469 {dimension_numbers = #tpu.dot_dimension_numbers<[1], [0], [0], [1], [0, 0, 1, 1], [], []>, transpose_lhs_hint = false} : vector<1000x15xf32>, vector<15x480xf32>, vector<1000x480xf32> -> vector<1000x480xf32>
    %concatenate3A_471 = tpu.concatenate %slice3A_431, %slice3A_431, %slice3A_431, %slice3A_431, %slice3A_431, %slice3A_431, %slice3A_431, %slice3A_431, %slice3A_431, %slice3A_431, %slice3A_431, %slice3A_431, %slice3A_431, %slice3A_431, %slice3A_431 in 1 : vector<1000x32xf32>, vector<1000x32xf32>, vector<1000x32xf32>, vector<1000x32xf32>, vector<1000x32xf32>, vector<1000x32xf32>, vector<1000x32xf32>, vector<1000x32xf32>, vector<1000x32xf32>, vector<1000x32xf32>, vector<1000x32xf32>, vector<1000x32xf32>, vector<1000x32xf32>, vector<1000x32xf32>, vector<1000x32xf32> -> vector<1000x480xf32>
    %mul3A_472 = arith.mulf %dot_general3A_470, %concatenate3A_471 : vector<1000x480xf32>
    %add3A_473 = arith.addf %add3A_425, %mul3A_472 : vector<1000x480xf32>
    %get3A_474 = arith.constant 10 : index
    %get3A_475 = arith.constant 0 : index
    %get3A_476 = arith.constant 0 : index
    %get3A_477 = vector.load %arg1[%get3A_474, %get3A_475, %get3A_476] : memref<16x1000x128xf32, #tpu.memory_space<vmem>>, vector<1x1000x128xf32>
    %get3A_478 = vector.shape_cast %get3A_477 : vector<1x1000x128xf32> to vector<1000x128xf32>
    %slice3A_479 = vector.extract_strided_slice %get3A_478 {offsets = [0, 0], sizes = [1000, 32], strides = [1, 1]} : vector<1000x128xf32> to vector<1000x32xf32>
    %slice3A_480 = vector.extract_strided_slice %get3A_478 {offsets = [0, 32], sizes = [1000, 3], strides = [1, 1]} : vector<1000x128xf32> to vector<1000x3xf32>
    %sub3A_481 = arith.subf %slice3A_480, %get3A_1 : vector<1000x3xf32>
    %get3A_482 = arith.constant 0 : index
    %get3A_483 = arith.constant 0 : index
    %get3A_484 = vector.load %arg3[%get3A_482, %get3A_483] : memref<3x15xf32, #tpu.memory_space<vmem>>, vector<3x15xf32>
    %dot_general3A_485 = arith.constant dense<0.000000e+00> : vector<1000x15xf32>
    %dot_general3A_486 = tpu.matmul %sub3A_481, %get3A_484, %dot_general3A_485 {dimension_numbers = #tpu.dot_dimension_numbers<[1], [0], [0], [1], [0, 0, 1, 1], [], []>, transpose_lhs_hint = false} : vector<1000x3xf32>, vector<3x15xf32>, vector<1000x15xf32> -> vector<1000x15xf32>
    %mul3A_487 = arith.mulf %sub3A_481, %sub3A_481 : vector<1000x3xf32>
    %reduce_sum3A_488 = arith.constant dense<0.000000e+00> : vector<1000xf32>
    %reduce_sum3A_489 = vector.multi_reduction <add>, %mul3A_487, %reduce_sum3A_488 [1] : vector<1000x3xf32> to vector<1000xf32>
    %broadcast_in_dim3A_490 = vector.shape_cast %reduce_sum3A_489 : vector<1000xf32> to vector<1000x1xf32>
    %mul3A_491 = arith.constant 2.000000e+00 : f32
    %mul3A_492 = vector.broadcast %mul3A_491 : f32 to vector<1000x15xf32>
    %mul3A_493 = arith.mulf %mul3A_492, %dot_general3A_486 : vector<1000x15xf32>
    %sub3A_494 = vector.broadcast %broadcast_in_dim3A_490 : vector<1000x1xf32> to vector<1000x15xf32>
    %sub3A_495 = arith.subf %sub3A_494, %mul3A_493 : vector<1000x15xf32>
    %get3A_496 = arith.constant 0 : index
    %get3A_497 = arith.constant 0 : index
    %get3A_498 = vector.load %arg4[%get3A_496, %get3A_497] : memref<1x15xf32, #tpu.memory_space<vmem>>, vector<1x15xf32>
    %add3A_499 = vector.broadcast %get3A_498 : vector<1x15xf32> to vector<1000x15xf32>
    %add3A_500 = arith.addf %sub3A_495, %add3A_499 : vector<1000x15xf32>
    %max3A_501 = arith.constant 0.000000e+00 : f32
    %max3A_502 = vector.broadcast %max3A_501 : f32 to vector<1000x15xf32>
    %max3A_503 = arith.maximumf %add3A_500, %max3A_502 : vector<1000x15xf32>
    %sqrt3A_504 = math.sqrt %max3A_503 : vector<1000x15xf32>
    %mul3A_505 = arith.constant 2.500000e+01 : f32
    %mul3A_506 = vector.broadcast %mul3A_505 : f32 to vector<1000x15xf32>
    %mul3A_507 = arith.mulf %sqrt3A_504, %mul3A_506 : vector<1000x15xf32>
    %sub3A_508 = arith.constant 1.000000e+00 : f32
    %sub3A_509 = vector.broadcast %sub3A_508 : f32 to vector<1000x15xf32>
    %sub3A_510 = arith.subf %sub3A_509, %mul3A_507 : vector<1000x15xf32>
    %max3A_511 = arith.constant 0.000000e+00 : f32
    %max3A_512 = vector.broadcast %max3A_511 : f32 to vector<1000x15xf32>
    %max3A_513 = arith.maximumf %max3A_512, %sub3A_510 : vector<1000x15xf32>
    %get3A_514 = arith.constant 0 : index
    %get3A_515 = arith.constant 0 : index
    %get3A_516 = vector.load %arg5[%get3A_514, %get3A_515] : memref<15x480xf32, #tpu.memory_space<vmem>>, vector<15x480xf32>
    %dot_general3A_517 = arith.constant dense<0.000000e+00> : vector<1000x480xf32>
    %dot_general3A_518 = tpu.matmul %max3A_513, %get3A_516, %dot_general3A_517 {dimension_numbers = #tpu.dot_dimension_numbers<[1], [0], [0], [1], [0, 0, 1, 1], [], []>, transpose_lhs_hint = false} : vector<1000x15xf32>, vector<15x480xf32>, vector<1000x480xf32> -> vector<1000x480xf32>
    %concatenate3A_519 = tpu.concatenate %slice3A_479, %slice3A_479, %slice3A_479, %slice3A_479, %slice3A_479, %slice3A_479, %slice3A_479, %slice3A_479, %slice3A_479, %slice3A_479, %slice3A_479, %slice3A_479, %slice3A_479, %slice3A_479, %slice3A_479 in 1 : vector<1000x32xf32>, vector<1000x32xf32>, vector<1000x32xf32>, vector<1000x32xf32>, vector<1000x32xf32>, vector<1000x32xf32>, vector<1000x32xf32>, vector<1000x32xf32>, vector<1000x32xf32>, vector<1000x32xf32>, vector<1000x32xf32>, vector<1000x32xf32>, vector<1000x32xf32>, vector<1000x32xf32>, vector<1000x32xf32> -> vector<1000x480xf32>
    %mul3A_520 = arith.mulf %dot_general3A_518, %concatenate3A_519 : vector<1000x480xf32>
    %add3A_521 = arith.addf %add3A_473, %mul3A_520 : vector<1000x480xf32>
    %get3A_522 = arith.constant 11 : index
    %get3A_523 = arith.constant 0 : index
    %get3A_524 = arith.constant 0 : index
    %get3A_525 = vector.load %arg1[%get3A_522, %get3A_523, %get3A_524] : memref<16x1000x128xf32, #tpu.memory_space<vmem>>, vector<1x1000x128xf32>
    %get3A_526 = vector.shape_cast %get3A_525 : vector<1x1000x128xf32> to vector<1000x128xf32>
    %slice3A_527 = vector.extract_strided_slice %get3A_526 {offsets = [0, 0], sizes = [1000, 32], strides = [1, 1]} : vector<1000x128xf32> to vector<1000x32xf32>
    %slice3A_528 = vector.extract_strided_slice %get3A_526 {offsets = [0, 32], sizes = [1000, 3], strides = [1, 1]} : vector<1000x128xf32> to vector<1000x3xf32>
    %sub3A_529 = arith.subf %slice3A_528, %get3A_1 : vector<1000x3xf32>
    %get3A_530 = arith.constant 0 : index
    %get3A_531 = arith.constant 0 : index
    %get3A_532 = vector.load %arg3[%get3A_530, %get3A_531] : memref<3x15xf32, #tpu.memory_space<vmem>>, vector<3x15xf32>
    %dot_general3A_533 = arith.constant dense<0.000000e+00> : vector<1000x15xf32>
    %dot_general3A_534 = tpu.matmul %sub3A_529, %get3A_532, %dot_general3A_533 {dimension_numbers = #tpu.dot_dimension_numbers<[1], [0], [0], [1], [0, 0, 1, 1], [], []>, transpose_lhs_hint = false} : vector<1000x3xf32>, vector<3x15xf32>, vector<1000x15xf32> -> vector<1000x15xf32>
    %mul3A_535 = arith.mulf %sub3A_529, %sub3A_529 : vector<1000x3xf32>
    %reduce_sum3A_536 = arith.constant dense<0.000000e+00> : vector<1000xf32>
    %reduce_sum3A_537 = vector.multi_reduction <add>, %mul3A_535, %reduce_sum3A_536 [1] : vector<1000x3xf32> to vector<1000xf32>
    %broadcast_in_dim3A_538 = vector.shape_cast %reduce_sum3A_537 : vector<1000xf32> to vector<1000x1xf32>
    %mul3A_539 = arith.constant 2.000000e+00 : f32
    %mul3A_540 = vector.broadcast %mul3A_539 : f32 to vector<1000x15xf32>
    %mul3A_541 = arith.mulf %mul3A_540, %dot_general3A_534 : vector<1000x15xf32>
    %sub3A_542 = vector.broadcast %broadcast_in_dim3A_538 : vector<1000x1xf32> to vector<1000x15xf32>
    %sub3A_543 = arith.subf %sub3A_542, %mul3A_541 : vector<1000x15xf32>
    %get3A_544 = arith.constant 0 : index
    %get3A_545 = arith.constant 0 : index
    %get3A_546 = vector.load %arg4[%get3A_544, %get3A_545] : memref<1x15xf32, #tpu.memory_space<vmem>>, vector<1x15xf32>
    %add3A_547 = vector.broadcast %get3A_546 : vector<1x15xf32> to vector<1000x15xf32>
    %add3A_548 = arith.addf %sub3A_543, %add3A_547 : vector<1000x15xf32>
    %max3A_549 = arith.constant 0.000000e+00 : f32
    %max3A_550 = vector.broadcast %max3A_549 : f32 to vector<1000x15xf32>
    %max3A_551 = arith.maximumf %add3A_548, %max3A_550 : vector<1000x15xf32>
    %sqrt3A_552 = math.sqrt %max3A_551 : vector<1000x15xf32>
    %mul3A_553 = arith.constant 2.500000e+01 : f32
    %mul3A_554 = vector.broadcast %mul3A_553 : f32 to vector<1000x15xf32>
    %mul3A_555 = arith.mulf %sqrt3A_552, %mul3A_554 : vector<1000x15xf32>
    %sub3A_556 = arith.constant 1.000000e+00 : f32
    %sub3A_557 = vector.broadcast %sub3A_556 : f32 to vector<1000x15xf32>
    %sub3A_558 = arith.subf %sub3A_557, %mul3A_555 : vector<1000x15xf32>
    %max3A_559 = arith.constant 0.000000e+00 : f32
    %max3A_560 = vector.broadcast %max3A_559 : f32 to vector<1000x15xf32>
    %max3A_561 = arith.maximumf %max3A_560, %sub3A_558 : vector<1000x15xf32>
    %get3A_562 = arith.constant 0 : index
    %get3A_563 = arith.constant 0 : index
    %get3A_564 = vector.load %arg5[%get3A_562, %get3A_563] : memref<15x480xf32, #tpu.memory_space<vmem>>, vector<15x480xf32>
    %dot_general3A_565 = arith.constant dense<0.000000e+00> : vector<1000x480xf32>
    %dot_general3A_566 = tpu.matmul %max3A_561, %get3A_564, %dot_general3A_565 {dimension_numbers = #tpu.dot_dimension_numbers<[1], [0], [0], [1], [0, 0, 1, 1], [], []>, transpose_lhs_hint = false} : vector<1000x15xf32>, vector<15x480xf32>, vector<1000x480xf32> -> vector<1000x480xf32>
    %concatenate3A_567 = tpu.concatenate %slice3A_527, %slice3A_527, %slice3A_527, %slice3A_527, %slice3A_527, %slice3A_527, %slice3A_527, %slice3A_527, %slice3A_527, %slice3A_527, %slice3A_527, %slice3A_527, %slice3A_527, %slice3A_527, %slice3A_527 in 1 : vector<1000x32xf32>, vector<1000x32xf32>, vector<1000x32xf32>, vector<1000x32xf32>, vector<1000x32xf32>, vector<1000x32xf32>, vector<1000x32xf32>, vector<1000x32xf32>, vector<1000x32xf32>, vector<1000x32xf32>, vector<1000x32xf32>, vector<1000x32xf32>, vector<1000x32xf32>, vector<1000x32xf32>, vector<1000x32xf32> -> vector<1000x480xf32>
    %mul3A_568 = arith.mulf %dot_general3A_566, %concatenate3A_567 : vector<1000x480xf32>
    %add3A_569 = arith.addf %add3A_521, %mul3A_568 : vector<1000x480xf32>
    %get3A_570 = arith.constant 12 : index
    %get3A_571 = arith.constant 0 : index
    %get3A_572 = arith.constant 0 : index
    %get3A_573 = vector.load %arg1[%get3A_570, %get3A_571, %get3A_572] : memref<16x1000x128xf32, #tpu.memory_space<vmem>>, vector<1x1000x128xf32>
    %get3A_574 = vector.shape_cast %get3A_573 : vector<1x1000x128xf32> to vector<1000x128xf32>
    %slice3A_575 = vector.extract_strided_slice %get3A_574 {offsets = [0, 0], sizes = [1000, 32], strides = [1, 1]} : vector<1000x128xf32> to vector<1000x32xf32>
    %slice3A_576 = vector.extract_strided_slice %get3A_574 {offsets = [0, 32], sizes = [1000, 3], strides = [1, 1]} : vector<1000x128xf32> to vector<1000x3xf32>
    %sub3A_577 = arith.subf %slice3A_576, %get3A_1 : vector<1000x3xf32>
    %get3A_578 = arith.constant 0 : index
    %get3A_579 = arith.constant 0 : index
    %get3A_580 = vector.load %arg3[%get3A_578, %get3A_579] : memref<3x15xf32, #tpu.memory_space<vmem>>, vector<3x15xf32>
    %dot_general3A_581 = arith.constant dense<0.000000e+00> : vector<1000x15xf32>
    %dot_general3A_582 = tpu.matmul %sub3A_577, %get3A_580, %dot_general3A_581 {dimension_numbers = #tpu.dot_dimension_numbers<[1], [0], [0], [1], [0, 0, 1, 1], [], []>, transpose_lhs_hint = false} : vector<1000x3xf32>, vector<3x15xf32>, vector<1000x15xf32> -> vector<1000x15xf32>
    %mul3A_583 = arith.mulf %sub3A_577, %sub3A_577 : vector<1000x3xf32>
    %reduce_sum3A_584 = arith.constant dense<0.000000e+00> : vector<1000xf32>
    %reduce_sum3A_585 = vector.multi_reduction <add>, %mul3A_583, %reduce_sum3A_584 [1] : vector<1000x3xf32> to vector<1000xf32>
    %broadcast_in_dim3A_586 = vector.shape_cast %reduce_sum3A_585 : vector<1000xf32> to vector<1000x1xf32>
    %mul3A_587 = arith.constant 2.000000e+00 : f32
    %mul3A_588 = vector.broadcast %mul3A_587 : f32 to vector<1000x15xf32>
    %mul3A_589 = arith.mulf %mul3A_588, %dot_general3A_582 : vector<1000x15xf32>
    %sub3A_590 = vector.broadcast %broadcast_in_dim3A_586 : vector<1000x1xf32> to vector<1000x15xf32>
    %sub3A_591 = arith.subf %sub3A_590, %mul3A_589 : vector<1000x15xf32>
    %get3A_592 = arith.constant 0 : index
    %get3A_593 = arith.constant 0 : index
    %get3A_594 = vector.load %arg4[%get3A_592, %get3A_593] : memref<1x15xf32, #tpu.memory_space<vmem>>, vector<1x15xf32>
    %add3A_595 = vector.broadcast %get3A_594 : vector<1x15xf32> to vector<1000x15xf32>
    %add3A_596 = arith.addf %sub3A_591, %add3A_595 : vector<1000x15xf32>
    %max3A_597 = arith.constant 0.000000e+00 : f32
    %max3A_598 = vector.broadcast %max3A_597 : f32 to vector<1000x15xf32>
    %max3A_599 = arith.maximumf %add3A_596, %max3A_598 : vector<1000x15xf32>
    %sqrt3A_600 = math.sqrt %max3A_599 : vector<1000x15xf32>
    %mul3A_601 = arith.constant 2.500000e+01 : f32
    %mul3A_602 = vector.broadcast %mul3A_601 : f32 to vector<1000x15xf32>
    %mul3A_603 = arith.mulf %sqrt3A_600, %mul3A_602 : vector<1000x15xf32>
    %sub3A_604 = arith.constant 1.000000e+00 : f32
    %sub3A_605 = vector.broadcast %sub3A_604 : f32 to vector<1000x15xf32>
    %sub3A_606 = arith.subf %sub3A_605, %mul3A_603 : vector<1000x15xf32>
    %max3A_607 = arith.constant 0.000000e+00 : f32
    %max3A_608 = vector.broadcast %max3A_607 : f32 to vector<1000x15xf32>
    %max3A_609 = arith.maximumf %max3A_608, %sub3A_606 : vector<1000x15xf32>
    %get3A_610 = arith.constant 0 : index
    %get3A_611 = arith.constant 0 : index
    %get3A_612 = vector.load %arg5[%get3A_610, %get3A_611] : memref<15x480xf32, #tpu.memory_space<vmem>>, vector<15x480xf32>
    %dot_general3A_613 = arith.constant dense<0.000000e+00> : vector<1000x480xf32>
    %dot_general3A_614 = tpu.matmul %max3A_609, %get3A_612, %dot_general3A_613 {dimension_numbers = #tpu.dot_dimension_numbers<[1], [0], [0], [1], [0, 0, 1, 1], [], []>, transpose_lhs_hint = false} : vector<1000x15xf32>, vector<15x480xf32>, vector<1000x480xf32> -> vector<1000x480xf32>
    %concatenate3A_615 = tpu.concatenate %slice3A_575, %slice3A_575, %slice3A_575, %slice3A_575, %slice3A_575, %slice3A_575, %slice3A_575, %slice3A_575, %slice3A_575, %slice3A_575, %slice3A_575, %slice3A_575, %slice3A_575, %slice3A_575, %slice3A_575 in 1 : vector<1000x32xf32>, vector<1000x32xf32>, vector<1000x32xf32>, vector<1000x32xf32>, vector<1000x32xf32>, vector<1000x32xf32>, vector<1000x32xf32>, vector<1000x32xf32>, vector<1000x32xf32>, vector<1000x32xf32>, vector<1000x32xf32>, vector<1000x32xf32>, vector<1000x32xf32>, vector<1000x32xf32>, vector<1000x32xf32> -> vector<1000x480xf32>
    %mul3A_616 = arith.mulf %dot_general3A_614, %concatenate3A_615 : vector<1000x480xf32>
    %add3A_617 = arith.addf %add3A_569, %mul3A_616 : vector<1000x480xf32>
    %get3A_618 = arith.constant 13 : index
    %get3A_619 = arith.constant 0 : index
    %get3A_620 = arith.constant 0 : index
    %get3A_621 = vector.load %arg1[%get3A_618, %get3A_619, %get3A_620] : memref<16x1000x128xf32, #tpu.memory_space<vmem>>, vector<1x1000x128xf32>
    %get3A_622 = vector.shape_cast %get3A_621 : vector<1x1000x128xf32> to vector<1000x128xf32>
    %slice3A_623 = vector.extract_strided_slice %get3A_622 {offsets = [0, 0], sizes = [1000, 32], strides = [1, 1]} : vector<1000x128xf32> to vector<1000x32xf32>
    %slice3A_624 = vector.extract_strided_slice %get3A_622 {offsets = [0, 32], sizes = [1000, 3], strides = [1, 1]} : vector<1000x128xf32> to vector<1000x3xf32>
    %sub3A_625 = arith.subf %slice3A_624, %get3A_1 : vector<1000x3xf32>
    %get3A_626 = arith.constant 0 : index
    %get3A_627 = arith.constant 0 : index
    %get3A_628 = vector.load %arg3[%get3A_626, %get3A_627] : memref<3x15xf32, #tpu.memory_space<vmem>>, vector<3x15xf32>
    %dot_general3A_629 = arith.constant dense<0.000000e+00> : vector<1000x15xf32>
    %dot_general3A_630 = tpu.matmul %sub3A_625, %get3A_628, %dot_general3A_629 {dimension_numbers = #tpu.dot_dimension_numbers<[1], [0], [0], [1], [0, 0, 1, 1], [], []>, transpose_lhs_hint = false} : vector<1000x3xf32>, vector<3x15xf32>, vector<1000x15xf32> -> vector<1000x15xf32>
    %mul3A_631 = arith.mulf %sub3A_625, %sub3A_625 : vector<1000x3xf32>
    %reduce_sum3A_632 = arith.constant dense<0.000000e+00> : vector<1000xf32>
    %reduce_sum3A_633 = vector.multi_reduction <add>, %mul3A_631, %reduce_sum3A_632 [1] : vector<1000x3xf32> to vector<1000xf32>
    %broadcast_in_dim3A_634 = vector.shape_cast %reduce_sum3A_633 : vector<1000xf32> to vector<1000x1xf32>
    %mul3A_635 = arith.constant 2.000000e+00 : f32
    %mul3A_636 = vector.broadcast %mul3A_635 : f32 to vector<1000x15xf32>
    %mul3A_637 = arith.mulf %mul3A_636, %dot_general3A_630 : vector<1000x15xf32>
    %sub3A_638 = vector.broadcast %broadcast_in_dim3A_634 : vector<1000x1xf32> to vector<1000x15xf32>
    %sub3A_639 = arith.subf %sub3A_638, %mul3A_637 : vector<1000x15xf32>
    %get3A_640 = arith.constant 0 : index
    %get3A_641 = arith.constant 0 : index
    %get3A_642 = vector.load %arg4[%get3A_640, %get3A_641] : memref<1x15xf32, #tpu.memory_space<vmem>>, vector<1x15xf32>
    %add3A_643 = vector.broadcast %get3A_642 : vector<1x15xf32> to vector<1000x15xf32>
    %add3A_644 = arith.addf %sub3A_639, %add3A_643 : vector<1000x15xf32>
    %max3A_645 = arith.constant 0.000000e+00 : f32
    %max3A_646 = vector.broadcast %max3A_645 : f32 to vector<1000x15xf32>
    %max3A_647 = arith.maximumf %add3A_644, %max3A_646 : vector<1000x15xf32>
    %sqrt3A_648 = math.sqrt %max3A_647 : vector<1000x15xf32>
    %mul3A_649 = arith.constant 2.500000e+01 : f32
    %mul3A_650 = vector.broadcast %mul3A_649 : f32 to vector<1000x15xf32>
    %mul3A_651 = arith.mulf %sqrt3A_648, %mul3A_650 : vector<1000x15xf32>
    %sub3A_652 = arith.constant 1.000000e+00 : f32
    %sub3A_653 = vector.broadcast %sub3A_652 : f32 to vector<1000x15xf32>
    %sub3A_654 = arith.subf %sub3A_653, %mul3A_651 : vector<1000x15xf32>
    %max3A_655 = arith.constant 0.000000e+00 : f32
    %max3A_656 = vector.broadcast %max3A_655 : f32 to vector<1000x15xf32>
    %max3A_657 = arith.maximumf %max3A_656, %sub3A_654 : vector<1000x15xf32>
    %get3A_658 = arith.constant 0 : index
    %get3A_659 = arith.constant 0 : index
    %get3A_660 = vector.load %arg5[%get3A_658, %get3A_659] : memref<15x480xf32, #tpu.memory_space<vmem>>, vector<15x480xf32>
    %dot_general3A_661 = arith.constant dense<0.000000e+00> : vector<1000x480xf32>
    %dot_general3A_662 = tpu.matmul %max3A_657, %get3A_660, %dot_general3A_661 {dimension_numbers = #tpu.dot_dimension_numbers<[1], [0], [0], [1], [0, 0, 1, 1], [], []>, transpose_lhs_hint = false} : vector<1000x15xf32>, vector<15x480xf32>, vector<1000x480xf32> -> vector<1000x480xf32>
    %concatenate3A_663 = tpu.concatenate %slice3A_623, %slice3A_623, %slice3A_623, %slice3A_623, %slice3A_623, %slice3A_623, %slice3A_623, %slice3A_623, %slice3A_623, %slice3A_623, %slice3A_623, %slice3A_623, %slice3A_623, %slice3A_623, %slice3A_623 in 1 : vector<1000x32xf32>, vector<1000x32xf32>, vector<1000x32xf32>, vector<1000x32xf32>, vector<1000x32xf32>, vector<1000x32xf32>, vector<1000x32xf32>, vector<1000x32xf32>, vector<1000x32xf32>, vector<1000x32xf32>, vector<1000x32xf32>, vector<1000x32xf32>, vector<1000x32xf32>, vector<1000x32xf32>, vector<1000x32xf32> -> vector<1000x480xf32>
    %mul3A_664 = arith.mulf %dot_general3A_662, %concatenate3A_663 : vector<1000x480xf32>
    %add3A_665 = arith.addf %add3A_617, %mul3A_664 : vector<1000x480xf32>
    %get3A_666 = arith.constant 14 : index
    %get3A_667 = arith.constant 0 : index
    %get3A_668 = arith.constant 0 : index
    %get3A_669 = vector.load %arg1[%get3A_666, %get3A_667, %get3A_668] : memref<16x1000x128xf32, #tpu.memory_space<vmem>>, vector<1x1000x128xf32>
    %get3A_670 = vector.shape_cast %get3A_669 : vector<1x1000x128xf32> to vector<1000x128xf32>
    %slice3A_671 = vector.extract_strided_slice %get3A_670 {offsets = [0, 0], sizes = [1000, 32], strides = [1, 1]} : vector<1000x128xf32> to vector<1000x32xf32>
    %slice3A_672 = vector.extract_strided_slice %get3A_670 {offsets = [0, 32], sizes = [1000, 3], strides = [1, 1]} : vector<1000x128xf32> to vector<1000x3xf32>
    %sub3A_673 = arith.subf %slice3A_672, %get3A_1 : vector<1000x3xf32>
    %get3A_674 = arith.constant 0 : index
    %get3A_675 = arith.constant 0 : index
    %get3A_676 = vector.load %arg3[%get3A_674, %get3A_675] : memref<3x15xf32, #tpu.memory_space<vmem>>, vector<3x15xf32>
    %dot_general3A_677 = arith.constant dense<0.000000e+00> : vector<1000x15xf32>
    %dot_general3A_678 = tpu.matmul %sub3A_673, %get3A_676, %dot_general3A_677 {dimension_numbers = #tpu.dot_dimension_numbers<[1], [0], [0], [1], [0, 0, 1, 1], [], []>, transpose_lhs_hint = false} : vector<1000x3xf32>, vector<3x15xf32>, vector<1000x15xf32> -> vector<1000x15xf32>
    %mul3A_679 = arith.mulf %sub3A_673, %sub3A_673 : vector<1000x3xf32>
    %reduce_sum3A_680 = arith.constant dense<0.000000e+00> : vector<1000xf32>
    %reduce_sum3A_681 = vector.multi_reduction <add>, %mul3A_679, %reduce_sum3A_680 [1] : vector<1000x3xf32> to vector<1000xf32>
    %broadcast_in_dim3A_682 = vector.shape_cast %reduce_sum3A_681 : vector<1000xf32> to vector<1000x1xf32>
    %mul3A_683 = arith.constant 2.000000e+00 : f32
    %mul3A_684 = vector.broadcast %mul3A_683 : f32 to vector<1000x15xf32>
    %mul3A_685 = arith.mulf %mul3A_684, %dot_general3A_678 : vector<1000x15xf32>
    %sub3A_686 = vector.broadcast %broadcast_in_dim3A_682 : vector<1000x1xf32> to vector<1000x15xf32>
    %sub3A_687 = arith.subf %sub3A_686, %mul3A_685 : vector<1000x15xf32>
    %get3A_688 = arith.constant 0 : index
    %get3A_689 = arith.constant 0 : index
    %get3A_690 = vector.load %arg4[%get3A_688, %get3A_689] : memref<1x15xf32, #tpu.memory_space<vmem>>, vector<1x15xf32>
    %add3A_691 = vector.broadcast %get3A_690 : vector<1x15xf32> to vector<1000x15xf32>
    %add3A_692 = arith.addf %sub3A_687, %add3A_691 : vector<1000x15xf32>
    %max3A_693 = arith.constant 0.000000e+00 : f32
    %max3A_694 = vector.broadcast %max3A_693 : f32 to vector<1000x15xf32>
    %max3A_695 = arith.maximumf %add3A_692, %max3A_694 : vector<1000x15xf32>
    %sqrt3A_696 = math.sqrt %max3A_695 : vector<1000x15xf32>
    %mul3A_697 = arith.constant 2.500000e+01 : f32
    %mul3A_698 = vector.broadcast %mul3A_697 : f32 to vector<1000x15xf32>
    %mul3A_699 = arith.mulf %sqrt3A_696, %mul3A_698 : vector<1000x15xf32>
    %sub3A_700 = arith.constant 1.000000e+00 : f32
    %sub3A_701 = vector.broadcast %sub3A_700 : f32 to vector<1000x15xf32>
    %sub3A_702 = arith.subf %sub3A_701, %mul3A_699 : vector<1000x15xf32>
    %max3A_703 = arith.constant 0.000000e+00 : f32
    %max3A_704 = vector.broadcast %max3A_703 : f32 to vector<1000x15xf32>
    %max3A_705 = arith.maximumf %max3A_704, %sub3A_702 : vector<1000x15xf32>
    %get3A_706 = arith.constant 0 : index
    %get3A_707 = arith.constant 0 : index
    %get3A_708 = vector.load %arg5[%get3A_706, %get3A_707] : memref<15x480xf32, #tpu.memory_space<vmem>>, vector<15x480xf32>
    %dot_general3A_709 = arith.constant dense<0.000000e+00> : vector<1000x480xf32>
    %dot_general3A_710 = tpu.matmul %max3A_705, %get3A_708, %dot_general3A_709 {dimension_numbers = #tpu.dot_dimension_numbers<[1], [0], [0], [1], [0, 0, 1, 1], [], []>, transpose_lhs_hint = false} : vector<1000x15xf32>, vector<15x480xf32>, vector<1000x480xf32> -> vector<1000x480xf32>
    %concatenate3A_711 = tpu.concatenate %slice3A_671, %slice3A_671, %slice3A_671, %slice3A_671, %slice3A_671, %slice3A_671, %slice3A_671, %slice3A_671, %slice3A_671, %slice3A_671, %slice3A_671, %slice3A_671, %slice3A_671, %slice3A_671, %slice3A_671 in 1 : vector<1000x32xf32>, vector<1000x32xf32>, vector<1000x32xf32>, vector<1000x32xf32>, vector<1000x32xf32>, vector<1000x32xf32>, vector<1000x32xf32>, vector<1000x32xf32>, vector<1000x32xf32>, vector<1000x32xf32>, vector<1000x32xf32>, vector<1000x32xf32>, vector<1000x32xf32>, vector<1000x32xf32>, vector<1000x32xf32> -> vector<1000x480xf32>
    %mul3A_712 = arith.mulf %dot_general3A_710, %concatenate3A_711 : vector<1000x480xf32>
    %add3A_713 = arith.addf %add3A_665, %mul3A_712 : vector<1000x480xf32>
    %get3A_714 = arith.constant 15 : index
    %get3A_715 = arith.constant 0 : index
    %get3A_716 = arith.constant 0 : index
    %get3A_717 = vector.load %arg1[%get3A_714, %get3A_715, %get3A_716] : memref<16x1000x128xf32, #tpu.memory_space<vmem>>, vector<1x1000x128xf32>
    %get3A_718 = vector.shape_cast %get3A_717 : vector<1x1000x128xf32> to vector<1000x128xf32>
    %slice3A_719 = vector.extract_strided_slice %get3A_718 {offsets = [0, 0], sizes = [1000, 32], strides = [1, 1]} : vector<1000x128xf32> to vector<1000x32xf32>
    %slice3A_720 = vector.extract_strided_slice %get3A_718 {offsets = [0, 32], sizes = [1000, 3], strides = [1, 1]} : vector<1000x128xf32> to vector<1000x3xf32>
    %sub3A_721 = arith.subf %slice3A_720, %get3A_1 : vector<1000x3xf32>
    %get3A_722 = arith.constant 0 : index
    %get3A_723 = arith.constant 0 : index
    %get3A_724 = vector.load %arg3[%get3A_722, %get3A_723] : memref<3x15xf32, #tpu.memory_space<vmem>>, vector<3x15xf32>
    %dot_general3A_725 = arith.constant dense<0.000000e+00> : vector<1000x15xf32>
    %dot_general3A_726 = tpu.matmul %sub3A_721, %get3A_724, %dot_general3A_725 {dimension_numbers = #tpu.dot_dimension_numbers<[1], [0], [0], [1], [0, 0, 1, 1], [], []>, transpose_lhs_hint = false} : vector<1000x3xf32>, vector<3x15xf32>, vector<1000x15xf32> -> vector<1000x15xf32>
    %mul3A_727 = arith.mulf %sub3A_721, %sub3A_721 : vector<1000x3xf32>
    %reduce_sum3A_728 = arith.constant dense<0.000000e+00> : vector<1000xf32>
    %reduce_sum3A_729 = vector.multi_reduction <add>, %mul3A_727, %reduce_sum3A_728 [1] : vector<1000x3xf32> to vector<1000xf32>
    %broadcast_in_dim3A_730 = vector.shape_cast %reduce_sum3A_729 : vector<1000xf32> to vector<1000x1xf32>
    %mul3A_731 = arith.constant 2.000000e+00 : f32
    %mul3A_732 = vector.broadcast %mul3A_731 : f32 to vector<1000x15xf32>
    %mul3A_733 = arith.mulf %mul3A_732, %dot_general3A_726 : vector<1000x15xf32>
    %sub3A_734 = vector.broadcast %broadcast_in_dim3A_730 : vector<1000x1xf32> to vector<1000x15xf32>
    %sub3A_735 = arith.subf %sub3A_734, %mul3A_733 : vector<1000x15xf32>
    %get3A_736 = arith.constant 0 : index
    %get3A_737 = arith.constant 0 : index
    %get3A_738 = vector.load %arg4[%get3A_736, %get3A_737] : memref<1x15xf32, #tpu.memory_space<vmem>>, vector<1x15xf32>
    %add3A_739 = vector.broadcast %get3A_738 : vector<1x15xf32> to vector<1000x15xf32>
    %add3A_740 = arith.addf %sub3A_735, %add3A_739 : vector<1000x15xf32>
    %max3A_741 = arith.constant 0.000000e+00 : f32
    %max3A_742 = vector.broadcast %max3A_741 : f32 to vector<1000x15xf32>
    %max3A_743 = arith.maximumf %add3A_740, %max3A_742 : vector<1000x15xf32>
    %sqrt3A_744 = math.sqrt %max3A_743 : vector<1000x15xf32>
    %mul3A_745 = arith.constant 2.500000e+01 : f32
    %mul3A_746 = vector.broadcast %mul3A_745 : f32 to vector<1000x15xf32>
    %mul3A_747 = arith.mulf %sqrt3A_744, %mul3A_746 : vector<1000x15xf32>
    %sub3A_748 = arith.constant 1.000000e+00 : f32
    %sub3A_749 = vector.broadcast %sub3A_748 : f32 to vector<1000x15xf32>
    %sub3A_750 = arith.subf %sub3A_749, %mul3A_747 : vector<1000x15xf32>
    %max3A_751 = arith.constant 0.000000e+00 : f32
    %max3A_752 = vector.broadcast %max3A_751 : f32 to vector<1000x15xf32>
    %max3A_753 = arith.maximumf %max3A_752, %sub3A_750 : vector<1000x15xf32>
    %get3A_754 = arith.constant 0 : index
    %get3A_755 = arith.constant 0 : index
    %get3A_756 = vector.load %arg5[%get3A_754, %get3A_755] : memref<15x480xf32, #tpu.memory_space<vmem>>, vector<15x480xf32>
    %dot_general3A_757 = arith.constant dense<0.000000e+00> : vector<1000x480xf32>
    %dot_general3A_758 = tpu.matmul %max3A_753, %get3A_756, %dot_general3A_757 {dimension_numbers = #tpu.dot_dimension_numbers<[1], [0], [0], [1], [0, 0, 1, 1], [], []>, transpose_lhs_hint = false} : vector<1000x15xf32>, vector<15x480xf32>, vector<1000x480xf32> -> vector<1000x480xf32>
    %concatenate3A_759 = tpu.concatenate %slice3A_719, %slice3A_719, %slice3A_719, %slice3A_719, %slice3A_719, %slice3A_719, %slice3A_719, %slice3A_719, %slice3A_719, %slice3A_719, %slice3A_719, %slice3A_719, %slice3A_719, %slice3A_719, %slice3A_719 in 1 : vector<1000x32xf32>, vector<1000x32xf32>, vector<1000x32xf32>, vector<1000x32xf32>, vector<1000x32xf32>, vector<1000x32xf32>, vector<1000x32xf32>, vector<1000x32xf32>, vector<1000x32xf32>, vector<1000x32xf32>, vector<1000x32xf32>, vector<1000x32xf32>, vector<1000x32xf32>, vector<1000x32xf32>, vector<1000x32xf32> -> vector<1000x480xf32>
    %mul3A_760 = arith.mulf %dot_general3A_758, %concatenate3A_759 : vector<1000x480xf32>
    %add3A_761 = arith.addf %add3A_713, %mul3A_760 : vector<1000x480xf32>
    %get3A_762 = arith.constant 0 : index
    %get3A_763 = arith.constant 0 : index
    %get3A_764 = vector.load %arg7[%get3A_762, %get3A_763] : memref<480x32xf32, #tpu.memory_space<vmem>>, vector<480x32xf32>
    %dot_general3A_765 = arith.constant dense<0.000000e+00> : vector<1000x32xf32>
    %dot_general3A_766 = tpu.matmul %add3A_761, %get3A_764, %dot_general3A_765 {dimension_numbers = #tpu.dot_dimension_numbers<[1], [0], [0], [1], [0, 0, 1, 1], [], []>, transpose_lhs_hint = false} : vector<1000x480xf32>, vector<480x32xf32>, vector<1000x32xf32> -> vector<1000x32xf32>
    %swap3A = arith.constant 0 : index
    %swap3A_767 = arith.constant 0 : index
    %swap3A_768 = vector.load %arg8[%swap3A, %swap3A_767] : memref<1000x32xf32, #tpu.memory_space<vmem>>, vector<1000x32xf32>
    tpu.vector_store %arg8[%swap3A, %swap3A_767], %dot_general3A_766 {strides = array<i32>} : memref<1000x32xf32, #tpu.memory_space<vmem>>, vector<1000x32xf32>,
    %eq3A = arith.constant 0 : i32
    %eq3A_769 = arith.cmpi eq, %arg0, %eq3A : i32
    %convert_element_type3A = arith.extui %eq3A_769 : i1 to i32
    %cond3A = arith.constant 0 : i32
    %cond3A_770 = arith.cmpi ne, %convert_element_type3A, %cond3A : i32
    scf.if %cond3A_770 {
      %broadcast_in_dim3A_792 = arith.constant 0.000000e+00 : f32
      %broadcast_in_dim3A_793 = vector.broadcast %broadcast_in_dim3A_792 : f32 to vector<1x32xf32>
      %swap3A_794 = arith.constant 0 : index
      %swap3A_795 = arith.constant 0 : index
      %swap3A_796 = vector.load %arg9[%swap3A_794, %swap3A_795] : memref<1x32xf32, #tpu.memory_space<vmem>>, vector<1x32xf32>
      tpu.vector_store %arg9[%swap3A_794, %swap3A_795], %broadcast_in_dim3A_793 {strides = array<i32>} : memref<1x32xf32, #tpu.memory_space<vmem>>, vector<1x32xf32>,
      %broadcast_in_dim3A_797 = arith.constant 0.000000e+00 : f32
      %broadcast_in_dim3A_798 = vector.broadcast %broadcast_in_dim3A_797 : f32 to vector<1x32xf32>
      %swap3A_799 = arith.constant 0 : index
      %swap3A_800 = arith.constant 0 : index
      %swap3A_801 = vector.load %arg10[%swap3A_799, %swap3A_800] : memref<1x32xf32, #tpu.memory_space<vmem>>, vector<1x32xf32>
      tpu.vector_store %arg10[%swap3A_799, %swap3A_800], %broadcast_in_dim3A_798 {strides = array<i32>} : memref<1x32xf32, #tpu.memory_space<vmem>>, vector<1x32xf32>,
    } else {
    }
    %get3A_771 = arith.constant 0 : index
    %get3A_772 = arith.constant 0 : index
    %get3A_773 = vector.load %arg9[%get3A_771, %get3A_772] : memref<1x32xf32, #tpu.memory_space<vmem>>, vector<1x32xf32>
    %reduce_sum3A_774 = arith.constant dense<0.000000e+00> : vector<32xf32>
    %reduce_sum3A_775 = vector.multi_reduction <add>, %dot_general3A_766, %reduce_sum3A_774 [0] : vector<1000x32xf32> to vector<32xf32>
    %broadcast_in_dim3A_776 = vector.shape_cast %reduce_sum3A_775 : vector<32xf32> to vector<1x32xf32>
    %add3A_777 = arith.addf %get3A_773, %broadcast_in_dim3A_776 : vector<1x32xf32>
    %swap3A_778 = arith.constant 0 : index
    %swap3A_779 = arith.constant 0 : index
    %swap3A_780 = vector.load %arg9[%swap3A_778, %swap3A_779] : memref<1x32xf32, #tpu.memory_space<vmem>>, vector<1x32xf32>
    tpu.vector_store %arg9[%swap3A_778, %swap3A_779], %add3A_777 {strides = array<i32>} : memref<1x32xf32, #tpu.memory_space<vmem>>, vector<1x32xf32>,
    %get3A_781 = arith.constant 0 : index
    %get3A_782 = arith.constant 0 : index
    %get3A_783 = vector.load %arg10[%get3A_781, %get3A_782] : memref<1x32xf32, #tpu.memory_space<vmem>>, vector<1x32xf32>
    %mul3A_784 = arith.mulf %dot_general3A_766, %dot_general3A_766 : vector<1000x32xf32>
    %reduce_sum3A_785 = arith.constant dense<0.000000e+00> : vector<32xf32>
    %reduce_sum3A_786 = vector.multi_reduction <add>, %mul3A_784, %reduce_sum3A_785 [0] : vector<1000x32xf32> to vector<32xf32>
    %broadcast_in_dim3A_787 = vector.shape_cast %reduce_sum3A_786 : vector<32xf32> to vector<1x32xf32>
    %add3A_788 = arith.addf %get3A_783, %broadcast_in_dim3A_787 : vector<1x32xf32>
    %swap3A_789 = arith.constant 0 : index
    %swap3A_790 = arith.constant 0 : index
    %swap3A_791 = vector.load %arg10[%swap3A_789, %swap3A_790] : memref<1x32xf32, #tpu.memory_space<vmem>>, vector<1x32xf32>
    tpu.vector_store %arg10[%swap3A_789, %swap3A_790], %add3A_788 {strides = array<i32>} : memref<1x32xf32, #tpu.memory_space<vmem>>, vector<1x32xf32>,
    return
  }
  func.func @transform_0(%arg0: i32) -> (i32, i32, i32) {
    %c0_i32 = arith.constant 0 : i32
    %c0_i32_0 = arith.constant 0 : i32
    %c0_i32_1 = arith.constant 0 : i32
    return %c0_i32, %arg0, %c0_i32_0 : i32, i32, i32
  }
  func.func @transform_1(%arg0: i32) -> (i32, i32) {
    %c0_i32 = arith.constant 0 : i32
    %c0_i32_0 = arith.constant 0 : i32
    return %arg0, %c0_i32 : i32, i32
  }
  func.func @transform_2(%arg0: i32) -> (i32, i32) {
    %c0_i32 = arith.constant 0 : i32
    %c0_i32_0 = arith.constant 0 : i32
    %c0_i32_1 = arith.constant 0 : i32
    return %c0_i32, %c0_i32_0 : i32, i32
  }
  func.func @transform_3(%arg0: i32) -> (i32, i32) {
    %c0_i32 = arith.constant 0 : i32
    %c0_i32_0 = arith.constant 0 : i32
    %c0_i32_1 = arith.constant 0 : i32
    return %c0_i32, %c0_i32_0 : i32, i32
  }
  func.func @transform_4(%arg0: i32) -> (i32, i32) {
    %c0_i32 = arith.constant 0 : i32
    %c0_i32_0 = arith.constant 0 : i32
    %c0_i32_1 = arith.constant 0 : i32
    return %c0_i32, %c0_i32_0 : i32, i32
  }
  func.func @transform_5(%arg0: i32) -> (i32, i32) {
    %c0_i32 = arith.constant 0 : i32
    %c0_i32_0 = arith.constant 0 : i32
    %c0_i32_1 = arith.constant 0 : i32
    return %c0_i32, %c0_i32_0 : i32, i32
  }
  func.func @transform_6(%arg0: i32) -> (i32, i32) {
    %c0_i32 = arith.constant 0 : i32
    %c0_i32_0 = arith.constant 0 : i32
    %c0_i32_1 = arith.constant 0 : i32
    return %c0_i32, %c0_i32_0 : i32, i32
  }
  func.func @transform_7(%arg0: i32) -> (i32, i32) {
    %c0_i32 = arith.constant 0 : i32
    %c0_i32_0 = arith.constant 0 : i32
    return %arg0, %c0_i32 : i32, i32
  }
  func.func @transform_8(%arg0: i32) -> (i32, i32) {
    %c0_i32 = arith.constant 0 : i32
    %c0_i32_0 = arith.constant 0 : i32
    %c0_i32_1 = arith.constant 0 : i32
    return %c0_i32, %c0_i32_0 : i32, i32
  }
  func.func @transform_9(%arg0: i32) -> (i32, i32) {
    %c0_i32 = arith.constant 0 : i32
    %c0_i32_0 = arith.constant 0 : i32
    %c0_i32_1 = arith.constant 0 : i32
    return %c0_i32, %c0_i32_0 : i32, i32
  }
}

module attributes {stable_mosaic.version = 14 : i64} {
  func.func @_up_body(%arg0: i32, %arg1: memref<1000x32xf32, #tpu.memory_space<vmem>>, %arg2: memref<1x32xf32, #tpu.memory_space<vmem>>, %arg3: memref<1x32xf32, #tpu.memory_space<vmem>>, %arg4: memref<32x128xf32, #tpu.memory_space<vmem>>, %arg5: memref<1000x128xf32, #tpu.memory_space<vmem>>, %arg6: memref<1x128xf32, #tpu.memory_space<vmem>>, %arg7: memref<1x128xf32, #tpu.memory_space<vmem>>) attributes {dimension_semantics = [#tpu.dimension_semantics<arbitrary>], iteration_bounds = array<i64: 50>, scalar_prefetch = 0 : i64, scratch_operands = 0 : i64, tpu.core_type = #tpu.core_type<tc>, window_params = [{transform_indices = @transform_0, window_bounds = array<i64: 1000, 32>}, {pipeline_mode = #tpu.pipeline_mode<synchronous>, transform_indices = @transform_1, window_bounds = array<i64: 1, 32>}, {pipeline_mode = #tpu.pipeline_mode<synchronous>, transform_indices = @transform_2, window_bounds = array<i64: 1, 32>}, {pipeline_mode = #tpu.pipeline_mode<synchronous>, transform_indices = @transform_3, window_bounds = array<i64: 32, 128>}, {transform_indices = @transform_4, window_bounds = array<i64: 1000, 128>}, {pipeline_mode = #tpu.pipeline_mode<synchronous>, transform_indices = @transform_5, window_bounds = array<i64: 1, 128>}, {pipeline_mode = #tpu.pipeline_mode<synchronous>, transform_indices = @transform_6, window_bounds = array<i64: 1, 128>}]} {
    %get3A = arith.constant 0 : index
    %get3A_0 = arith.constant 0 : index
    %get3A_1 = vector.load %arg1[%get3A, %get3A_0] : memref<1000x32xf32, #tpu.memory_space<vmem>>, vector<1000x32xf32>
    %get3A_2 = arith.constant 0 : index
    %get3A_3 = arith.constant 0 : index
    %get3A_4 = vector.load %arg2[%get3A_2, %get3A_3] : memref<1x32xf32, #tpu.memory_space<vmem>>, vector<1x32xf32>
    %mul3A = vector.broadcast %get3A_4 : vector<1x32xf32> to vector<1000x32xf32>
    %mul3A_5 = arith.mulf %get3A_1, %mul3A : vector<1000x32xf32>
    %get3A_6 = arith.constant 0 : index
    %get3A_7 = arith.constant 0 : index
    %get3A_8 = vector.load %arg3[%get3A_6, %get3A_7] : memref<1x32xf32, #tpu.memory_space<vmem>>, vector<1x32xf32>
    %add3A = vector.broadcast %get3A_8 : vector<1x32xf32> to vector<1000x32xf32>
    %add3A_9 = arith.addf %mul3A_5, %add3A : vector<1000x32xf32>
    %ge3A = arith.constant 0.000000e+00 : f32
    %ge3A_10 = vector.broadcast %ge3A : f32 to vector<1000x32xf32>
    %ge3A_11 = arith.cmpf oge, %add3A_9, %ge3A_10 : vector<1000x32xf32>
    %mul3A_12 = arith.constant 2.000000e-01 : f32
    %mul3A_13 = vector.broadcast %mul3A_12 : f32 to vector<1000x32xf32>
    %mul3A_14 = arith.mulf %mul3A_13, %add3A_9 : vector<1000x32xf32>
    %select_n3A = arith.select %ge3A_11, %add3A_9, %mul3A_14 : vector<1000x32xi1>, vector<1000x32xf32>
    %get3A_15 = arith.constant 0 : index
    %get3A_16 = arith.constant 0 : index
    %get3A_17 = vector.load %arg4[%get3A_15, %get3A_16] : memref<32x128xf32, #tpu.memory_space<vmem>>, vector<32x128xf32>
    %dot_general3A = arith.constant dense<0.000000e+00> : vector<1000x128xf32>
    %dot_general3A_18 = tpu.matmul %select_n3A, %get3A_17, %dot_general3A {dimension_numbers = #tpu.dot_dimension_numbers<[1], [0], [0], [1], [0, 0, 1, 1], [], []>, transpose_lhs_hint = false} : vector<1000x32xf32>, vector<32x128xf32>, vector<1000x128xf32> -> vector<1000x128xf32>
    %swap3A = arith.constant 0 : index
    %swap3A_19 = arith.constant 0 : index
    %swap3A_20 = vector.load %arg5[%swap3A, %swap3A_19] : memref<1000x128xf32, #tpu.memory_space<vmem>>, vector<1000x128xf32>
    tpu.vector_store %arg5[%swap3A, %swap3A_19], %dot_general3A_18 {strides = array<i32>} : memref<1000x128xf32, #tpu.memory_space<vmem>>, vector<1000x128xf32>,
    %eq3A = arith.constant 0 : i32
    %eq3A_21 = arith.cmpi eq, %arg0, %eq3A : i32
    %convert_element_type3A = arith.extui %eq3A_21 : i1 to i32
    %cond3A = arith.constant 0 : i32
    %cond3A_22 = arith.cmpi ne, %convert_element_type3A, %cond3A : i32
    scf.if %cond3A_22 {
      %broadcast_in_dim3A_42 = arith.constant 0.000000e+00 : f32
      %broadcast_in_dim3A_43 = vector.broadcast %broadcast_in_dim3A_42 : f32 to vector<1x128xf32>
      %swap3A_44 = arith.constant 0 : index
      %swap3A_45 = arith.constant 0 : index
      %swap3A_46 = vector.load %arg6[%swap3A_44, %swap3A_45] : memref<1x128xf32, #tpu.memory_space<vmem>>, vector<1x128xf32>
      tpu.vector_store %arg6[%swap3A_44, %swap3A_45], %broadcast_in_dim3A_43 {strides = array<i32>} : memref<1x128xf32, #tpu.memory_space<vmem>>, vector<1x128xf32>,
      %broadcast_in_dim3A_47 = arith.constant 0.000000e+00 : f32
      %broadcast_in_dim3A_48 = vector.broadcast %broadcast_in_dim3A_47 : f32 to vector<1x128xf32>
      %swap3A_49 = arith.constant 0 : index
      %swap3A_50 = arith.constant 0 : index
      %swap3A_51 = vector.load %arg7[%swap3A_49, %swap3A_50] : memref<1x128xf32, #tpu.memory_space<vmem>>, vector<1x128xf32>
      tpu.vector_store %arg7[%swap3A_49, %swap3A_50], %broadcast_in_dim3A_48 {strides = array<i32>} : memref<1x128xf32, #tpu.memory_space<vmem>>, vector<1x128xf32>,
    } else {
    }
    %get3A_23 = arith.constant 0 : index
    %get3A_24 = arith.constant 0 : index
    %get3A_25 = vector.load %arg6[%get3A_23, %get3A_24] : memref<1x128xf32, #tpu.memory_space<vmem>>, vector<1x128xf32>
    %reduce_sum3A = arith.constant dense<0.000000e+00> : vector<128xf32>
    %reduce_sum3A_26 = vector.multi_reduction <add>, %dot_general3A_18, %reduce_sum3A [0] : vector<1000x128xf32> to vector<128xf32>
    %broadcast_in_dim3A = vector.shape_cast %reduce_sum3A_26 : vector<128xf32> to vector<1x128xf32>
    %add3A_27 = arith.addf %get3A_25, %broadcast_in_dim3A : vector<1x128xf32>
    %swap3A_28 = arith.constant 0 : index
    %swap3A_29 = arith.constant 0 : index
    %swap3A_30 = vector.load %arg6[%swap3A_28, %swap3A_29] : memref<1x128xf32, #tpu.memory_space<vmem>>, vector<1x128xf32>
    tpu.vector_store %arg6[%swap3A_28, %swap3A_29], %add3A_27 {strides = array<i32>} : memref<1x128xf32, #tpu.memory_space<vmem>>, vector<1x128xf32>,
    %get3A_31 = arith.constant 0 : index
    %get3A_32 = arith.constant 0 : index
    %get3A_33 = vector.load %arg7[%get3A_31, %get3A_32] : memref<1x128xf32, #tpu.memory_space<vmem>>, vector<1x128xf32>
    %mul3A_34 = arith.mulf %dot_general3A_18, %dot_general3A_18 : vector<1000x128xf32>
    %reduce_sum3A_35 = arith.constant dense<0.000000e+00> : vector<128xf32>
    %reduce_sum3A_36 = vector.multi_reduction <add>, %mul3A_34, %reduce_sum3A_35 [0] : vector<1000x128xf32> to vector<128xf32>
    %broadcast_in_dim3A_37 = vector.shape_cast %reduce_sum3A_36 : vector<128xf32> to vector<1x128xf32>
    %add3A_38 = arith.addf %get3A_33, %broadcast_in_dim3A_37 : vector<1x128xf32>
    %swap3A_39 = arith.constant 0 : index
    %swap3A_40 = arith.constant 0 : index
    %swap3A_41 = vector.load %arg7[%swap3A_39, %swap3A_40] : memref<1x128xf32, #tpu.memory_space<vmem>>, vector<1x128xf32>
    tpu.vector_store %arg7[%swap3A_39, %swap3A_40], %add3A_38 {strides = array<i32>} : memref<1x128xf32, #tpu.memory_space<vmem>>, vector<1x128xf32>,
    return
  }
  func.func @transform_0(%arg0: i32) -> (i32, i32) {
    %c0_i32 = arith.constant 0 : i32
    %c0_i32_0 = arith.constant 0 : i32
    return %arg0, %c0_i32 : i32, i32
  }
  func.func @transform_1(%arg0: i32) -> (i32, i32) {
    %c0_i32 = arith.constant 0 : i32
    %c0_i32_0 = arith.constant 0 : i32
    %c0_i32_1 = arith.constant 0 : i32
    return %c0_i32, %c0_i32_0 : i32, i32
  }
  func.func @transform_2(%arg0: i32) -> (i32, i32) {
    %c0_i32 = arith.constant 0 : i32
    %c0_i32_0 = arith.constant 0 : i32
    %c0_i32_1 = arith.constant 0 : i32
    return %c0_i32, %c0_i32_0 : i32, i32
  }
  func.func @transform_3(%arg0: i32) -> (i32, i32) {
    %c0_i32 = arith.constant 0 : i32
    %c0_i32_0 = arith.constant 0 : i32
    %c0_i32_1 = arith.constant 0 : i32
    return %c0_i32, %c0_i32_0 : i32, i32
  }
  func.func @transform_4(%arg0: i32) -> (i32, i32) {
    %c0_i32 = arith.constant 0 : i32
    %c0_i32_0 = arith.constant 0 : i32
    return %arg0, %c0_i32 : i32, i32
  }
  func.func @transform_5(%arg0: i32) -> (i32, i32) {
    %c0_i32 = arith.constant 0 : i32
    %c0_i32_0 = arith.constant 0 : i32
    %c0_i32_1 = arith.constant 0 : i32
    return %c0_i32, %c0_i32_0 : i32, i32
  }
  func.func @transform_6(%arg0: i32) -> (i32, i32) {
    %c0_i32 = arith.constant 0 : i32
    %c0_i32_0 = arith.constant 0 : i32
    %c0_i32_1 = arith.constant 0 : i32
    return %c0_i32, %c0_i32_0 : i32, i32
  }
}

module attributes {stable_mosaic.version = 14 : i64} {
  func.func @_res_body(%arg0: i32, %arg1: memref<1000x128xf32, #tpu.memory_space<vmem>>, %arg2: memref<1x128xf32, #tpu.memory_space<vmem>>, %arg3: memref<1x128xf32, #tpu.memory_space<vmem>>, %arg4: memref<1000x128xf32, #tpu.memory_space<vmem>>, %arg5: memref<1000x128xf32, #tpu.memory_space<vmem>>) attributes {dimension_semantics = [#tpu.dimension_semantics<arbitrary>], iteration_bounds = array<i64: 50>, scalar_prefetch = 0 : i64, scratch_operands = 0 : i64, tpu.core_type = #tpu.core_type<tc>, window_params = [{transform_indices = @transform_0, window_bounds = array<i64: 1000, 128>}, {pipeline_mode = #tpu.pipeline_mode<synchronous>, transform_indices = @transform_1, window_bounds = array<i64: 1, 128>}, {pipeline_mode = #tpu.pipeline_mode<synchronous>, transform_indices = @transform_2, window_bounds = array<i64: 1, 128>}, {transform_indices = @transform_3, window_bounds = array<i64: 1000, 128>}, {transform_indices = @transform_4, window_bounds = array<i64: 1000, 128>}]} {
    %get3A = arith.constant 0 : index
    %get3A_0 = arith.constant 0 : index
    %get3A_1 = vector.load %arg1[%get3A, %get3A_0] : memref<1000x128xf32, #tpu.memory_space<vmem>>, vector<1000x128xf32>
    %get3A_2 = arith.constant 0 : index
    %get3A_3 = arith.constant 0 : index
    %get3A_4 = vector.load %arg2[%get3A_2, %get3A_3] : memref<1x128xf32, #tpu.memory_space<vmem>>, vector<1x128xf32>
    %mul3A = vector.broadcast %get3A_4 : vector<1x128xf32> to vector<1000x128xf32>
    %mul3A_5 = arith.mulf %get3A_1, %mul3A : vector<1000x128xf32>
    %get3A_6 = arith.constant 0 : index
    %get3A_7 = arith.constant 0 : index
    %get3A_8 = vector.load %arg3[%get3A_6, %get3A_7] : memref<1x128xf32, #tpu.memory_space<vmem>>, vector<1x128xf32>
    %add3A = vector.broadcast %get3A_8 : vector<1x128xf32> to vector<1000x128xf32>
    %add3A_9 = arith.addf %mul3A_5, %add3A : vector<1000x128xf32>
    %ge3A = arith.constant 0.000000e+00 : f32
    %ge3A_10 = vector.broadcast %ge3A : f32 to vector<1000x128xf32>
    %ge3A_11 = arith.cmpf oge, %add3A_9, %ge3A_10 : vector<1000x128xf32>
    %mul3A_12 = arith.constant 2.000000e-01 : f32
    %mul3A_13 = vector.broadcast %mul3A_12 : f32 to vector<1000x128xf32>
    %mul3A_14 = arith.mulf %mul3A_13, %add3A_9 : vector<1000x128xf32>
    %select_n3A = arith.select %ge3A_11, %add3A_9, %mul3A_14 : vector<1000x128xi1>, vector<1000x128xf32>
    %get3A_15 = arith.constant 0 : index
    %get3A_16 = arith.constant 0 : index
    %get3A_17 = vector.load %arg4[%get3A_15, %get3A_16] : memref<1000x128xf32, #tpu.memory_space<vmem>>, vector<1000x128xf32>
    %add3A_18 = arith.addf %select_n3A, %get3A_17 : vector<1000x128xf32>
    %swap3A = arith.constant 0 : index
    %swap3A_19 = arith.constant 0 : index
    %swap3A_20 = vector.load %arg5[%swap3A, %swap3A_19] : memref<1000x128xf32, #tpu.memory_space<vmem>>, vector<1000x128xf32>
    tpu.vector_store %arg5[%swap3A, %swap3A_19], %add3A_18 {strides = array<i32>} : memref<1000x128xf32, #tpu.memory_space<vmem>>, vector<1000x128xf32>,
    return
  }
  func.func @transform_0(%arg0: i32) -> (i32, i32) {
    %c0_i32 = arith.constant 0 : i32
    %c0_i32_0 = arith.constant 0 : i32
    return %arg0, %c0_i32 : i32, i32
  }
  func.func @transform_1(%arg0: i32) -> (i32, i32) {
    %c0_i32 = arith.constant 0 : i32
    %c0_i32_0 = arith.constant 0 : i32
    %c0_i32_1 = arith.constant 0 : i32
    return %c0_i32, %c0_i32_0 : i32, i32
  }
  func.func @transform_2(%arg0: i32) -> (i32, i32) {
    %c0_i32 = arith.constant 0 : i32
    %c0_i32_0 = arith.constant 0 : i32
    %c0_i32_1 = arith.constant 0 : i32
    return %c0_i32, %c0_i32_0 : i32, i32
  }
  func.func @transform_3(%arg0: i32) -> (i32, i32) {
    %c0_i32 = arith.constant 0 : i32
    %c0_i32_0 = arith.constant 0 : i32
    return %arg0, %c0_i32 : i32, i32
  }
  func.func @transform_4(%arg0: i32) -> (i32, i32) {
    %c0_i32 = arith.constant 0 : i32
    %c0_i32_0 = arith.constant 0 : i32
    return %arg0, %c0_i32 : i32, i32
  }
}

</mosaic_0001>

<sc_bundles>
// kernel: kernel.8.cloned.1.call-start
scs
__scs_entry_jumppad:
0x0: {  	(pc) =	sbr.rel $0x88, $3  }
0x1: {  	(tag) =	ssettag $0x0;
	lr =	simm.s32 $0x1  }
0x2: {  	[smem:$0x3F95] =	sst lr;
	_ =	strace $0xD0000000  }
0x3: {  	_ = 	snop  }
0x4: {  	_ = 	snop  }
0x5: {  	_ = 	snop  }
0x6: {  	_ = 	snop  }
0x7: {  	_ = 	snop  }
__scs_overlays_trampoline_lowered:
0x8: {  	[smem:$0x3FA4] =	sst s0  }
0x9: {  	[smem:$0x3FA5] =	sst s1  }
0xa: {  	[smem:$0x3FA6] =	sst s2  }
0xb: {  	[smem:$0x3FA7] =	sst s3  }
0xc: {  	[smem:$0x3FA8] =	sst s4  }
0xd: {  	[smem:$0x3FA9] =	sst s5  }
0xe: {  	[smem:$0x3FAA] =	sst s6  }
0xf: {  	[smem:$0x3FAB] =	sst s7  }
0x10: {  	[smem:$0x3FAC] =	sst s8  }
0x11: {  	[smem:$0x3FAD] =	sst s9;
	s0 =	simm.s32 @!p0 $0x0  }
0x12: {  	s1 =	sld [smem:$0x3F93];
	s0 =	simm.s32 @p0 $0x1  }
0x13: {  	[smem:$0x3FAE] =	sst s0;
	s0 =	simm.s32 @!p1 $0x0  }
0x14: {  	s2 =	sld [smem:$0x3F92];
	s0 =	simm.s32 @p1 $0x1  }
0x15: {  	[smem:$0x3FAF] =	sst s0;
	s0 =	simm.s32 @!p2 $0x0  }
0x16: {  	s3 =	sld [smem:$0x3FDB];
	s0 =	simm.s32 @p2 $0x1  }
0x17: {  	s4 =	simm.s32 $0x1BF5;
	[smem:$0x3FB1] =	sst s0  }
0x18: {  	s0 =	sld [smem:$0x3F94];
	_ =	swait.ge [sflag:s4], $0x0  }
0x19: {  	s7 =	sld [smem:$0x3F95]  }
0x1a: {  	s8 =	sadd.s32 $0xFFFFE003, lr  }
0x1b: {  	s9 =	sadd.s32 $0xFFFFFEF7, lr;
	s5 =	simm.s32 $0xFFFFFFFF;
	p2 =	slt.u32 s8, $0xFFFFF086  }
0x1c: {  	p1 =	slt.u32 s9, $0xF7A;
	s5 =	simm.s32 @!p2 $0x0  }
0x1d: {  	s5 =	simm.s32 @p1 $0x1;
	p0 =	seq.s32 s7, s2  }
0x1e: {  	s7 =	smul.u32 @!p0 $0xF7A, s2;
	p2 =	seq.s32 @!p0 s5, $0x0  }
0x1f: {  	s9 =	smul.u32 $0xF7A, s1;
	s8 =	simm.s32 @!p0 $0x1BF5;
	p2 =	por !p2, p0  }
0x20: {  	[sflag:s8] =	ssyncset.s32 @!p0 $0xFFFFF086;
	s6 =	sadd.s32 @!p0 s3, s7;
	s7 =	simm.s32 @!p0 $0x108  }
0x21: {  	s3 =	sadd.s32 s3, s9;
	s6 =	sadd.s32 @!p0 $0x88, s6;
	s7 =	simm.s32 @p2 $0x1082  }
0x22: {  	[simem:s7], [sflag:s8] =	dma.local @!p0 [hbm:s6], $0xF7A  }
0x23: {  	s9 =	sor.u32 $0xD0000000, s2;
	s6 =	simm.s32 $0x108;
	_ =	swait.ge @!p0 [sflag:s8], $0x0  }
0x24: {  	s3 =	sadd.s32 $0x88, s3;
	s6 =	simm.s32 @!p1 $0x1082;
	[sflag:s4] =	ssyncset.s32 $0xFFFFF086  }
0x25: {  	[simem:s6], [sflag:s4] =	dma.local [hbm:s3], $0xF7A  }
0x26: {  	[smem:$0x3F95] =	sst s1;
	(tag) =	ssettag s2;
	_ =	strace s9  }
0x27: {  	s1 =	sld [smem:$0x3FA5]  }
0x28: {  	s2 =	sld [smem:$0x3FA6]  }
0x29: {  	s4 =	sld [smem:$0x3FA8]  }
0x2a: {  	p0 =	seq.s32 s5, $0x0;
	s5 =	sld [smem:$0x3FA9]  }
0x2b: {  	s6 =	sld [smem:$0x3FAA]  }
0x2c: {  	s7 =	sld [smem:$0x3FAB]  }
0x2d: {  	s3 =	simm.s32 $0x108;
	s8 =	sld [smem:$0x3FAC]  }
0x2e: {  	s3 =	simm.s32 @!p0 $0x1082;
	s9 =	sld [smem:$0x3FAD]  }
0x2f: {  	lr =	sadd.s32 s0, s3;
	s0 =	sld [smem:$0x3FA4]  }
0x30: {  	s3 =	sld [smem:$0x3FA7]  }
0x31: {  	[smem:$0x3FB0] =	sst s10  }
0x32: {  	s10 =	sld [smem:$0x3FAE];
	_ =	sdelay $0x3  }
0x33: {  	p0 =	seq.s32 s10, $0x1;
	s10 =	sld [smem:$0x3FB0];
	_ =	sdelay $0x3  }
0x34: {  	[smem:$0x3FB0] =	sst s10  }
0x35: {  	s10 =	sld [smem:$0x3FAF];
	_ =	sdelay $0x3  }
0x36: {  	p1 =	seq.s32 s10, $0x1;
	s10 =	sld [smem:$0x3FB0];
	_ =	sdelay $0x3  }
0x37: {  	[smem:$0x3FB0] =	sst s10  }
0x38: {  	s10 =	sld [smem:$0x3FB1]  }
0x39: {  	_ = 	snop;
	(pc) =	sbr.ind lr, $3  }
0x3a: {  	_ = 	snop  }
0x3b: {  	_ = 	snop  }
0x3c: {  	p2 =	seq.s32 s10, $0x1;
	s10 =	sld [smem:$0x3FB0]  }
0x3d: {  	_ =	shalt  }
0x3e: {  	_ =	shalt  }
0x3f: {  	_ =	shalt  }
0x40: {  	_ =	shalt  }
0x41: {  	_ =	shalt  }
0x42: {  	_ =	shalt  }
0x43: {  	_ =	shalt  }
0x44: {  	_ =	shalt  }
0x45: {  	_ =	shalt  }
0x46: {  	_ =	shalt  }
0x47: {  	_ =	shalt  }
0x48: {  	_ =	shalt  }
0x49: {  	_ =	shalt  }
0x4a: {  	_ =	shalt  }
0x4b: {  	_ =	shalt  }
0x4c: {  	_ =	shalt  }
0x4d: {  	_ =	shalt  }
0x4e: {  	_ =	shalt  }
0x4f: {  	_ =	shalt  }
0x50: {  	_ =	shalt  }
0x51: {  	_ =	shalt  }
0x52: {  	_ =	shalt  }
0x53: {  	_ =	shalt  }
0x54: {  	_ =	shalt  }
0x55: {  	_ =	shalt  }
0x56: {  	_ =	shalt  }
0x57: {  	_ =	shalt  }
0x58: {  	_ =	shalt  }
0x59: {  	_ =	shalt  }
0x5a: {  	_ =	shalt  }
0x5b: {  	_ =	shalt  }
0x5c: {  	_ =	shalt  }
0x5d: {  	_ =	shalt  }
0x5e: {  	_ =	shalt  }
0x5f: {  	_ =	shalt  }
0x60: {  	_ =	shalt  }
0x61: {  	_ =	shalt  }
0x62: {  	_ =	shalt  }
0x63: {  	_ =	shalt  }
0x64: {  	_ =	shalt  }
0x65: {  	_ =	shalt  }
0x66: {  	_ =	shalt  }
0x67: {  	_ =	shalt  }
0x68: {  	_ =	shalt  }
0x69: {  	_ =	shalt  }
0x6a: {  	_ =	shalt  }
0x6b: {  	_ =	shalt  }
0x6c: {  	_ =	shalt  }
0x6d: {  	_ =	shalt  }
0x6e: {  	_ =	shalt  }
0x6f: {  	_ =	shalt  }
0x70: {  	_ =	shalt  }
0x71: {  	_ =	shalt  }
0x72: {  	_ =	shalt  }
0x73: {  	_ =	shalt  }
0x74: {  	_ =	shalt  }
0x75: {  	_ =	shalt  }
0x76: {  	_ =	shalt  }
0x77: {  	_ =	shalt  }
0x78: {  	_ =	shalt  }
0x79: {  	_ =	shalt  }
0x7a: {  	_ =	shalt  }
0x7b: {  	_ =	shalt  }
0x7c: {  	_ =	shalt  }
0x7d: {  	_ =	shalt  }
0x7e: {  	_ =	shalt  }
0x7f: {  	_ =	shalt  }
0x80: {  	_ =	shalt  }
0x81: {  	_ =	shalt  }
0x82: {  	_ =	shalt  }
0x83: {  	_ =	shalt  }
0x84: {  	_ =	shalt  }
0x85: {  	_ =	shalt  }
0x86: {  	_ =	shalt  }
0x87: {  	_ =	shalt  }
.Lfunc_end0:
.L_simem_size_0:
called_computation_lowered:
.L_overlay_start_0:
0x88: {  	s2 =	sld [smem:$0x3FD9]  }
0x89: {  	s3 =	sld [smem:$0x3FFE];
	_ =	sdelay $0x1  }
0x8a: {  	s1 =	srdreg.scid  }
0x8b: {  	s0 =	sand.u32 $0x1, s1  }
0x8c: {  	s16 =	sshll.u32 s0, $0xA;
	s2 =	sadd.s32 s3, s2  }
0x8d: {  	s2 =	sadd.s32 s2, s16  }
0x8e: {  	[smem:$0x3FBC] =	sst s2  }
0x8f: {  	_ = 	snop  }
0x90: {  	(tm) =	ssettm $0x1  }
0x91: {  	s17 =	sld [smem:$0x3FFB];
	_ =	sdelay $0x3  }
0x92: {  	_ =	strace s17  }
0x93: {  	s2 =	sld [smem:$0x3FFC];
	_ =	sdelay $0x3  }
0x94: {  	_ =	strace s2  }
0x95: {  	s2 =	sld [smem:$0x3FFD];
	_ =	sdelay $0x3  }
0x96: {  	_ =	strace s2  }
0x97: {  	_ =	strace $0x8FFFFFFF  }
0x98: {  	s18 =	sld [smem:$0x3FDB];
	_ =	sdelay $0x1  }
0x99: {  	s19 =	simm.s32 $_scs_section_size  }
0x9a: {  	s4 =	simm.s32 $_size__tile_overlayer_lowered;
	s5 =	simm.s32 $_tile_overlayer_lowered  }
0x9b: {  	s22 =	simm.s32 $0x1BFF;
	s21 =	sshll.u32 s5, $0x1;
	s2 =	sadd.s32 s19, s18  }
0x9c: {  	s6 =	simm.s32 $0x0;
	s20 =	sshll.u32 s4, $0x1;
	s4 =	sadd.s32 s21, s2  }
0x9d: {  	[timem:s6], [sflag:s22] =	dma.local [hbm:s4], s20  }
0x9e: {  	_ =	swait.ge [sflag:s22], s20  }
0x9f: {  	s3 =	ssub.s32 $0x0, s20;
	[sflag:s22] =	ssyncset.done $0x0  }
0xa0: {  	[sflag:s22] =	ssyncadd.s32 s3;
	_ =	sdelay $0x1  }
0xa1: {  	s23 =	simm.s32 $0x1B8B  }
0xa2: {  	_ =	swait.ge [sflag:s23], $0x1  }
0xa3: {  	[sflag:s23] =	ssyncset.done $0x0  }
0xa4: {  	s25 =	simm.s32 $0x1B8E;
	s24 =	sld [smem:$0x3FFE];
	[sflag:s23] =	ssyncadd.s32 $0xFFFFFFFF  }
0xa5: {  	s26 =	simm.s32 $execute0_lowered;
	[smem:$0x3FD2] =	sst s25  }
0xa6: {  	s4 =	sshll.u32 s26, $0x1;
	_ =	strace $0x80000046;
	[dreg:$0x1] =	wrdreg $0xFFFFFFFF  }
0xa7: {  	s28 =	simm.s32 $_size_execute0_lowered;
	s2 =	sadd.s32 s2, s4;
	[dreg:$0x0] =	wrdreg $0x0  }
0xa8: {  	s4 =	sshll.u32 s28, $0x1;
	[dreg:$0x2] =	wrdreg s2  }
0xa9: {  	[dreg:$0x3] =	wrdreg s4  }
0xaa: {  	[dreg:$0x4] =	wrdreg $0xC0  }
0xab: {  	_ =	task [dreg:s6], $0x5FFFF  }
0xac: {  	[dreg:$0x1] =	wrdreg $0xFFFFFFFF  }
0xad: {  	[dreg:$0x0] =	wrdreg $0x60  }
0xae: {  	[dreg:$0x2] =	wrdreg s24  }
0xaf: {  	[dreg:$0x3] =	wrdreg $0x9  }
0xb0: {  	_ =	task.clear_ibuf [dreg:s6], $0x4FFFF;
	_ =	strace $0x90000046  }
0xb1: {  	s29 =	simm.s32 $0x9;
	_ =	strace $0x80000048  }
0xb2: {  	_ =	swait.ge [sflag:s29], $0x1  }
0xb3: {  	[sflag:s29] =	ssyncadd.s32 $0xFFFFFFFF  }
0xb4: {  	_ =	strace $0x90000048  }
0xb5: {  	_ =	sfence  }
0xb6: {  	s30 =	sld [smem:$0x0];
	_ =	sdelay $0x2  }
0xb7: {  	s31 =	sshll.u32 s1, $0xD;
	s1 =	sshrl.u32 s1, $0x2  }
0xb8: {  	s3 =	sand.u32 $0x4000, s31;
	s1 =	sadd.s32 s1, s30  }
0xb9: {  	s0 =	sor.u32 s3, s0;
	s1 =	sshll.u32 s1, $0x11  }
0xba: {  	s0 =	sor.u32 s1, s0  }
0xbb: {  	s0 =	sadd.s32 $0x8F2B, s0  }
0xbc: {  	[sflag:s0] =	ssyncadd.remote.s32 $0x1  }
0xbd: {  	_ =	sfence.sel $0xFFFF  }
0xbe: {  	[dreg:$0x0] =	wrdreg $0xFFFFFFFF;
	(pc) =	sbr.abs _section_cstart, $3  }
0xbf: {  	[dreg:$0x1] =	wrdreg $0xFFFFFFFF  }
0xc0: {  	_ =	task.clear_ibuf [dreg:s6], $0x2FFFF;
	_ =	strace $0x9FFFFFFF  }
0xc1: {  	(tm) =	ssettm $0x7FFFFFFF  }
tec
execute0_lowered:
.L_overlay_start_1:
0x0: {  	(tag) =	ssettag $0x1  }
0x1: {  	s4 =	rddreg [dreg:$0x0]  }
0x2: {  	s0 =	rddreg [dreg:$0x1]  }
0x3: {  	s2 =	simm.s32 $0x0;
	s3 =	srdreg.scid;
	s1 =	stileid.u32  }
0x4: {  	s14 =	simm.s32 $0x8300;
	s15 =	simm.s32 $0x180;
	s16 =	simm.s32 $0xC300  }
0x5: {  	s17 =	simm.s32 $0x200;
	s18 =	simm.s32 $0x10300;
	s19 =	simm.s32 $0x280  }
0x6: {  	s20 =	simm.s32 $0x14300;
	s21 =	simm.s32 $0x1;
	s22 =	simm.s32 $0x28  }
0x7: {  	s23 =	simm.s32 $0x0;
	[smem:$0x7FF] =	sst s2;
	s5 =	sand.u32 $0x1, s3  }
0x8: {  	s29 =	sshll.u32 s1, $0x1;
	s3 =	sadd.s32 $0x1A1E00, s4;
	s9 =	smul.u32 $0xC350, s1  }
0x9: {  	s8 =	sadd.s32 $0x2A00, s4;
	s31 =	smul.u32 $0xC3500, s1;
	s6 =	sor.u32 s5, s29  }
0xa: {  	s7 =	sadd.s32 $0x265400, s4;
	s30 =	ssub.s32 $0x2, s5;
	s6 =	smul.u32 $0x61A8, s6  }
0xb: {  	_ =	strace $0x80000047;
	s12 =	smul.u32 $0x61A8, s5;
	s10 =	sshrl.u32 s30, $0x1  }
0xc: {  	s13 =	smul.u32 $0x61A80, s5;
	s10 =	ssub.s32 s30, s10;
	s6 =	sadd.s32 $0x6000, s6  }
0xd: {  	s9 =	sadd.s32 s12, s9;
	s12 =	simm.s32 $0x4300;
	s11 =	sshrl.u32 s6, $0x3  }
0xe: {  	s9 =	sshrl.u32 s9, $0x3;
	s6 =	sshll.u32 s6, $0x4;
	s4 =	sadd.s32 s8, s11  }
0xf: {  	s5 =	sadd.s32 s7, s6;
	s7 =	sadd.s32 s31, s7;
	s6 =	smax.u32 s10, $0x1  }
0x10: {  	s8 =	sadd.s32 s9, s8;
	s9 =	simm.s32 $0x2;
	s10 =	simm.s32 $0x80  }
0x11: {  	s11 =	simm.s32 $0x300;
	s7 =	sadd.s32 s13, s7;
	s13 =	simm.s32 $0x100  }
.LBB2_1:
0x12: {  	s24 =	sadd.s32 $0x0, s8  }
0x13: {  	[tilespmem:s2], [sflag:$0x2] =	stream.linear.gather [hbm4b:s24+s2], $0x300, $0x38;
	[tilespmem:$0x18300] =	vst v63  }
0x14: {  	_ =	swait.ge [sflag:s9], $0x300  }
0x15: {  	[sflag:s9] =	ssyncset.done $0x0  }
0x16: {  	[sflag:s9] =	ssyncadd.s32 $0xFFFFFD00  }
0x17: {  	[tilespmem:s11], [sflag:$0x1] =	stream.indirect.gather [hbm4b:s3+s10], $0x80, s2, s10, $0xb8;
	[tilespmem:$0x18300] =	vst v63  }
0x18: {  	_ = 	snop  }
0x19: {  	[tilespmem:s12], [sflag:$0x1] =	stream.indirect.gather [hbm4b:s3+s10], $0x80, s10, s10, $0xb8;
	[tilespmem:$0x18300] =	vst v63  }
0x1a: {  	_ = 	snop  }
0x1b: {  	[tilespmem:s14], [sflag:$0x1] =	stream.indirect.gather [hbm4b:s3+s10], $0x80, s13, s10, $0xb8;
	[tilespmem:$0x18300] =	vst v63  }
0x1c: {  	_ = 	snop  }
0x1d: {  	[tilespmem:s16], [sflag:$0x1] =	stream.indirect.gather [hbm4b:s3+s10], $0x80, s15, s10, $0xb8;
	[tilespmem:$0x18300] =	vst v63  }
0x1e: {  	_ = 	snop  }
0x1f: {  	[tilespmem:s18], [sflag:$0x1] =	stream.indirect.gather [hbm4b:s3+s10], $0x80, s17, s10, $0xb8;
	[tilespmem:$0x18300] =	vst v63  }
0x20: {  	_ = 	snop  }
0x21: {  	[tilespmem:s20], [sflag:$0x1] =	stream.indirect.gather [hbm4b:s3+s10], $0x80, s19, s10, $0xb8;
	[tilespmem:$0x18300] =	vst v63  }
0x22: {  	_ =	swait.ge [sflag:s21], $0x4000  }
0x23: {  	[sflag:s21] =	ssyncset.done $0x0  }
0x24: {  	[sflag:s21] =	ssyncadd.s32 $0xFFFFC000  }
0x25: {  	_ =	swait.ge [sflag:s21], $0x4000  }
0x26: {  	[sflag:s21] =	ssyncset.done $0x0  }
0x27: {  	[sflag:s21] =	ssyncadd.s32 $0xFFFFC000  }
0x28: {  	_ =	swait.ge [sflag:s21], $0x4000  }
0x29: {  	[sflag:s21] =	ssyncset.done $0x0  }
0x2a: {  	[sflag:s21] =	ssyncadd.s32 $0xFFFFC000  }
0x2b: {  	_ =	swait.ge [sflag:s21], $0x4000  }
0x2c: {  	[sflag:s21] =	ssyncset.done $0x0  }
0x2d: {  	[sflag:s21] =	ssyncadd.s32 $0xFFFFC000  }
0x2e: {  	_ =	swait.ge [sflag:s21], $0x4000  }
0x2f: {  	[sflag:s21] =	ssyncset.done $0x0  }
0x30: {  	[sflag:s21] =	ssyncadd.s32 $0xFFFFC000  }
0x31: {  	_ =	swait.ge [sflag:s21], $0x4000  }
0x32: {  	[sflag:s21] =	ssyncset.done $0x0  }
0x33: {  	[sflag:s21] =	ssyncadd.s32 $0xFFFFC000  }
0x34: {  	[hbm4b:s7+s2] =	stream.linear.scatter [tilespmem:s11], [sflag:$0x2], $0x18000, $0x38;
	[tilespmem:$0x18300] =	vst v63  }
0x35: {  	s25 =	simm.s32 $0x60;
	_ =	swait.ge [sflag:s9], $0x18000  }
0x36: {  	s28 =	simm.s32 $0xC0;
	s24 =	sadd.s32 $0x3000, s7;
	[sflag:s9] =	ssyncset.done $0x0  }
.LBB2_2:
0x37: {  	s29 =	sadd.s32 s25, s8  }
0x38: {  	[sflag:s9] =	ssyncadd.s32 $0xFFFE8000;
	s25 =	smov.u32 s28;
	s26 =	sadd.s32 $0x60, s28  }
0x39: {  	[tilespmem:s2], [sflag:$0x2] =	stream.linear.gather [hbm4b:s29+s2], $0x300, $0x38;
	[tilespmem:$0x18300] =	vst v63  }
0x3a: {  	p0 =	sne.s32 s28, $0xBA0;
	_ =	swait.ge [sflag:s9], $0x300  }
0x3b: {  	[sflag:s9] =	ssyncset.done $0x0  }
0x3c: {  	[sflag:s9] =	ssyncadd.s32 $0xFFFFFD00  }
0x3d: {  	[tilespmem:s11], [sflag:$0x1] =	stream.indirect.gather [hbm4b:s3+s10], $0x80, s2, s10, $0xb8;
	[tilespmem:$0x18300] =	vst v63  }
0x3e: {  	_ = 	snop  }
0x3f: {  	[tilespmem:s12], [sflag:$0x1] =	stream.indirect.gather [hbm4b:s3+s10], $0x80, s10, s10, $0xb8;
	[tilespmem:$0x18300] =	vst v63  }
0x40: {  	_ = 	snop  }
0x41: {  	[tilespmem:s14], [sflag:$0x1] =	stream.indirect.gather [hbm4b:s3+s10], $0x80, s13, s10, $0xb8;
	[tilespmem:$0x18300] =	vst v63  }
0x42: {  	_ = 	snop  }
0x43: {  	[tilespmem:s16], [sflag:$0x1] =	stream.indirect.gather [hbm4b:s3+s10], $0x80, s15, s10, $0xb8;
	[tilespmem:$0x18300] =	vst v63  }
0x44: {  	_ = 	snop  }
0x45: {  	[tilespmem:s18], [sflag:$0x1] =	stream.indirect.gather [hbm4b:s3+s10], $0x80, s17, s10, $0xb8;
	[tilespmem:$0x18300] =	vst v63  }
0x46: {  	_ = 	snop  }
0x47: {  	[tilespmem:s20], [sflag:$0x1] =	stream.indirect.gather [hbm4b:s3+s10], $0x80, s19, s10, $0xb8;
	[tilespmem:$0x18300] =	vst v63  }
0x48: {  	_ =	swait.ge [sflag:s21], $0x4000  }
0x49: {  	[sflag:s21] =	ssyncset.done $0x0  }
0x4a: {  	[sflag:s21] =	ssyncadd.s32 $0xFFFFC000  }
0x4b: {  	_ =	swait.ge [sflag:s21], $0x4000  }
0x4c: {  	[sflag:s21] =	ssyncset.done $0x0  }
0x4d: {  	[sflag:s21] =	ssyncadd.s32 $0xFFFFC000  }
0x4e: {  	_ =	swait.ge [sflag:s21], $0x4000  }
0x4f: {  	[sflag:s21] =	ssyncset.done $0x0  }
0x50: {  	[sflag:s21] =	ssyncadd.s32 $0xFFFFC000  }
0x51: {  	_ =	swait.ge [sflag:s21], $0x4000  }
0x52: {  	[sflag:s21] =	ssyncset.done $0x0  }
0x53: {  	[sflag:s21] =	ssyncadd.s32 $0xFFFFC000  }
0x54: {  	_ =	swait.ge [sflag:s21], $0x4000  }
0x55: {  	[sflag:s21] =	ssyncset.done $0x0  }
0x56: {  	[sflag:s21] =	ssyncadd.s32 $0xFFFFC000  }
0x57: {  	_ =	swait.ge [sflag:s21], $0x4000  }
.Ltmp0:
0x58: {  	[sflag:s21] =	ssyncset.done $0x0;
	(pc) =	sbr.rel @p0 .LBB2_2-.Ltmp0, $4  }
0x59: {  	[sflag:s21] =	ssyncadd.s32 $0xFFFFC000  }
0x5a: {  	[hbm4b:s24+s2] =	stream.linear.scatter [tilespmem:s11], [sflag:$0x2], $0x18000, $0x38;
	[tilespmem:$0x18300] =	vst v63  }
0x5b: {  	_ =	swait.ge [sflag:s9], $0x18000  }
0x5c: {  	s28 =	smov.u32 s26;
	s24 =	sadd.s32 $0x3000, s24;
	[sflag:s9] =	ssyncset.done $0x0  }
0x5d: {  	s25 =	sadd.s32 s25, s8;
	[sflag:s9] =	ssyncadd.s32 $0xFFFE8000  }
0x5e: {  	[tilespmem:s2], [sflag:$0x2] =	stream.linear.gather [hbm4b:s25+s2], $0x300, $0x38;
	[tilespmem:$0x18300] =	vst v63  }
0x5f: {  	_ =	swait.ge [sflag:s9], $0x300  }
0x60: {  	[sflag:s9] =	ssyncset.done $0x0  }
0x61: {  	[sflag:s9] =	ssyncadd.s32 $0xFFFFFD00  }
0x62: {  	[tilespmem:s11], [sflag:$0x1] =	stream.indirect.gather [hbm4b:s3+s10], $0x80, s2, s10, $0xb8;
	[tilespmem:$0x18300] =	vst v63  }
0x63: {  	_ = 	snop  }
0x64: {  	[tilespmem:s12], [sflag:$0x1] =	stream.indirect.gather [hbm4b:s3+s10], $0x80, s10, s10, $0xb8;
	[tilespmem:$0x18300] =	vst v63  }
0x65: {  	_ = 	snop  }
0x66: {  	[tilespmem:s14], [sflag:$0x1] =	stream.indirect.gather [hbm4b:s3+s10], $0x80, s13, s10, $0xb8;
	[tilespmem:$0x18300] =	vst v63  }
0x67: {  	_ = 	snop  }
0x68: {  	[tilespmem:s16], [sflag:$0x1] =	stream.indirect.gather [hbm4b:s3+s10], $0x80, s15, s10, $0xb8;
	[tilespmem:$0x18300] =	vst v63  }
0x69: {  	_ = 	snop  }
0x6a: {  	[tilespmem:s18], [sflag:$0x1] =	stream.indirect.gather [hbm4b:s3+s10], $0x80, s17, s10, $0xb8;
	[tilespmem:$0x18300] =	vst v63  }
0x6b: {  	_ = 	snop  }
0x6c: {  	[tilespmem:s20], [sflag:$0x1] =	stream.indirect.gather [hbm4b:s3+s10], $0x80, s19, s10, $0xb8;
	[tilespmem:$0x18300] =	vst v63  }
0x6d: {  	_ =	swait.ge [sflag:s21], $0x4000  }
0x6e: {  	[sflag:s21] =	ssyncset.done $0x0  }
0x6f: {  	[sflag:s21] =	ssyncadd.s32 $0xFFFFC000  }
0x70: {  	_ =	swait.ge [sflag:s21], $0x4000  }
0x71: {  	[sflag:s21] =	ssyncset.done $0x0  }
0x72: {  	[sflag:s21] =	ssyncadd.s32 $0xFFFFC000  }
0x73: {  	_ =	swait.ge [sflag:s21], $0x4000  }
0x74: {  	[sflag:s21] =	ssyncset.done $0x0  }
0x75: {  	[sflag:s21] =	ssyncadd.s32 $0xFFFFC000  }
0x76: {  	_ =	swait.ge [sflag:s21], $0x4000  }
0x77: {  	[sflag:s21] =	ssyncset.done $0x0  }
0x78: {  	[sflag:s21] =	ssyncadd.s32 $0xFFFFC000  }
0x79: {  	_ =	swait.ge [sflag:s21], $0x4000  }
0x7a: {  	[sflag:s21] =	ssyncset.done $0x0  }
0x7b: {  	[sflag:s21] =	ssyncadd.s32 $0xFFFFC000  }
0x7c: {  	_ =	swait.ge [sflag:s21], $0x4000  }
0x7d: {  	[sflag:s21] =	ssyncset.done $0x0  }
0x7e: {  	[sflag:s21] =	ssyncadd.s32 $0xFFFFC000  }
0x7f: {  	[hbm4b:s24+s2] =	stream.linear.scatter [tilespmem:s11], [sflag:$0x2], $0x18000, $0x38;
	[tilespmem:$0x18300] =	vst v63  }
0x80: {  	_ =	swait.ge [sflag:s9], $0x18000  }
0x81: {  	[sflag:s9] =	ssyncset.done $0x0  }
0x82: {  	[sflag:s9] =	ssyncadd.s32 $0xFFFE8000  }
0x83: {  	[tilespmem:s2], [sflag:$0x2] =	stream.linear.gather [hbm4b:s4+s2], $0x1A8, $0x38;
	[tilespmem:$0x18300] =	vst v63  }
0x84: {  	_ =	swait.ge [sflag:s9], $0x1A8  }
0x85: {  	[sflag:s9] =	ssyncset.done $0x0  }
0x86: {  	[sflag:s9] =	ssyncadd.s32 $0xFFFFFE58  }
0x87: {  	[tilespmem:s11], [sflag:$0x1] =	stream.indirect.gather [hbm4b:s3+s10], $0x80, s2, s10, $0xb8;
	[tilespmem:$0x18300] =	vst v63  }
0x88: {  	_ = 	snop  }
0x89: {  	[tilespmem:s12], [sflag:$0x1] =	stream.indirect.gather [hbm4b:s3+s10], $0x80, s10, s10, $0xb8;
	[tilespmem:$0x18300] =	vst v63  }
0x8a: {  	_ = 	snop  }
0x8b: {  	[tilespmem:s14], [sflag:$0x1] =	stream.indirect.gather [hbm4b:s3+s10], $0x80, s13, s10, $0xb8;
	[tilespmem:$0x18300] =	vst v63  }
0x8c: {  	_ = 	snop  }
0x8d: {  	[tilespmem:s16], [sflag:$0x1] =	stream.indirect.gather [hbm4b:s3+s22], $0x80, s15, s22, $0xb8;
	[tilespmem:$0x18300] =	vst v63  }
0x8e: {  	_ =	swait.ge [sflag:s21], $0x4000  }
0x8f: {  	[sflag:s21] =	ssyncset.done $0x0  }
0x90: {  	[sflag:s21] =	ssyncadd.s32 $0xFFFFC000  }
0x91: {  	_ =	swait.ge [sflag:s21], $0x4000  }
0x92: {  	[sflag:s21] =	ssyncset.done $0x0  }
0x93: {  	[sflag:s21] =	ssyncadd.s32 $0xFFFFC000  }
0x94: {  	_ =	swait.ge [sflag:s21], $0x4000  }
0x95: {  	[sflag:s21] =	ssyncset.done $0x0  }
0x96: {  	[sflag:s21] =	ssyncadd.s32 $0xFFFFC000  }
0x97: {  	s23 =	sadd.s32 $0x1, s23;
	_ =	swait.ge [sflag:s21], $0x1400  }
0x98: {  	p0 =	sne.s32 s23, s6;
	[sflag:s21] =	ssyncset.done $0x0  }
.Ltmp1:
0x99: {  	[sflag:s21] =	ssyncadd.s32 $0xFFFFEC00;
	(pc) =	sbr.rel @p0 .LBB2_1-.Ltmp1, $4  }
0x9a: {  	[hbm4b:s5+s2] =	stream.linear.scatter [tilespmem:s11], [sflag:$0x2], $0xD400, $0x38;
	[tilespmem:$0x18300] =	vst v63  }
0x9b: {  	_ =	swait.ge [sflag:s9], $0xD400  }
0x9c: {  	[sflag:s9] =	ssyncset.done $0x0  }
0x9d: {  	[sflag:s9] =	ssyncadd.s32 $0xFFFF2C00  }
0x9e: {  	_ =	sfence.sel $0x180000  }
0x9f: {  	[bflag:$0x0] =	sbarrier.arrive $0xFFFF  }
0xa0: {  	p0 =	sne.s32 s1, $0x0;
	_ =	strace $0x90000047  }
0xa1: {  	s0 =	sadd.s32 @!p0 $0x100000, s0;
	[bflag:$0x2] =	sbarrier.arrive $0xFFFF  }
0xa2: {  	[sflag:s0] =	ssyncadd.tile.s32 @!p0 $0x1;
	_ =	shalt  }
.Lfunc_end2:
_tile_overlayer_lowered:
.L_overlay_start_2:
0xa3: {  	(tag) =	ssettag $0x2  }
0xa4: {  	s0 =	rddreg [dreg:$0x0];
	s2 =	stileid.u32  }
0xa5: {  	s1 =	rddreg [dreg:$0x1];
	p0 =	sne.s32 s2, $0x0  }
0xa6: {  	s3 =	rddreg [dreg:$0x2];
	[bflag:$0x3] =	sbarrier.arrive $0xFFFF;
	s2 =	simm.s32 @!p0 $0x1C02  }
0xa7: {  	[timem:s3], [sflag:s2] =	dma.local @!p0 [hbm:s0], s1  }
0xa8: {  	s0 =	simm.s32 @!p0 $0x2  }
0xa9: {  	_ =	swait.ge @!p0 [sflag:s0], s1  }
0xaa: {  	s1 =	ssub.s32 @!p0 $0x0, s1;
	[sflag:s0] =	ssyncset.done @!p0 $0x0  }
0xab: {  	[sflag:s0] =	ssyncadd.s32 @!p0 s1  }
0xac: {  	[bflag:$0x3] =	sbarrier.arrive $0xFFFF  }
0xad: {  	_ =	shalt  }

</sc_bundles>
